<compile_context>
chip_gen: v7x
topology: tpu7x:2x2x1
jax: 0.10.2.dev20260603
libtpu: 0.0.44.dev20260713+nightly
codegen_flags: <defaults>
</compile_context>

<pallas_src>
import functools

import jax
import jax.numpy as jnp
from jax import lax
from jax.experimental import pallas as pl
from jax.experimental.pallas import tpu as pltpu
from jax.experimental.pallas import tpu_sc as plsc

N = 10000
E = 160000
D = 256
P = 10240
NC, NS, L = 2, 16, 16
H = P // NC

_MESH = plsc.VectorSubcoreMesh(core_axis_name="c", subcore_axis_name="s",
                               num_cores=NC)
_SC_PARAMS = pltpu.CompilerParams(use_tc_tiling_on_sc=False,
                                  needs_layout_passes=False)

K1_K = 40
K1_ROWS = E // K1_K // (NC * NS)
SEG = P // NS


@functools.partial(
    pl.kernel,
    out_type=jax.ShapeDtypeStruct((NC, NS, SEG), jnp.float32),
    mesh=_MESH,
    scratch_types=[
        pltpu.VMEM((K1_ROWS, K1_K), jnp.int32),
        pltpu.VMEM((K1_ROWS, K1_K), jnp.float32),
        pltpu.VMEM((SEG,), jnp.float32),
        pltpu.VMEM_SHARED((P,), jnp.float32),
    ],
    compiler_params=_SC_PARAMS,
)
def _deg_kernel(col_hbm, ew_hbm, out_hbm, colv, ewv, tbuf, sdeg):
    c = lax.axis_index("c")
    s = lax.axis_index("s")

    zero16 = jnp.zeros((L,), jnp.float32)

    def zb(j, carry):
        tbuf[pl.ds(j * L, L)] = zero16
        return carry

    lax.fori_loop(0, SEG // L, zb, 0)
    pltpu.sync_copy(tbuf, sdeg.at[pl.ds(s * SEG, SEG)])

    tile_row0 = (c * NS + s) * K1_ROWS
    pltpu.sync_copy(col_hbm.at[pl.ds(tile_row0, K1_ROWS)], colv)
    pltpu.sync_copy(ew_hbm.at[pl.ds(tile_row0, K1_ROWS)], ewv)
    plsc.subcore_barrier()

    def body(i, carry):
        pltpu.sync_copy(ewv.at[i], sdeg.at[colv.at[i]], add=True)
        return carry

    lax.fori_loop(0, K1_ROWS, body, 0)
    plsc.subcore_barrier()

    pltpu.sync_copy(sdeg.at[pl.ds(s * SEG, SEG)], tbuf)
    pltpu.sync_copy(tbuf, out_hbm.at[c, s])


_BLK = 400


DH = D // NC


def _tc_body(x_ref, w_ref, b_ref, d0_ref, d1_ref, xw_ref, dis_ref, ob_ref):
    i = pl.program_id(0)
    xw = jnp.dot(x_ref[...], w_ref[...], preferred_element_type=jnp.float32)
    deg = d0_ref[pl.ds(i, 1), :] + d1_ref[pl.ds(i, 1), :] + 1.0
    dis = jnp.where(deg > 0, lax.rsqrt(jnp.where(deg > 0, deg, 1.0)), 0.0)
    dis_ref[pl.ds(i, 1), :] = dis
    dis_col = jnp.reshape(dis, (_BLK, 1))
    ob = xw * (dis_col * dis_col) + b_ref[...]
    xw_ref[0] = xw[:, :DH]
    xw_ref[1] = xw[:, DH:]
    ob_ref[0] = ob[:, :DH]
    ob_ref[1] = ob[:, DH:]


_tc = pl.pallas_call(
    _tc_body,
    grid=(N // _BLK,),
    in_specs=[
        pl.BlockSpec((_BLK, D), lambda i: (i, 0)),
        pl.BlockSpec((D, D), lambda i: (0, 0)),
        pl.BlockSpec((1, D), lambda i: (0, 0)),
        pl.BlockSpec((N // _BLK, _BLK), lambda i: (0, 0)),
        pl.BlockSpec((N // _BLK, _BLK), lambda i: (0, 0)),
    ],
    out_specs=[
        pl.BlockSpec((NC, _BLK, DH), lambda i: (0, i, 0)),
        pl.BlockSpec((N // _BLK, _BLK), lambda i: (0, 0)),
        pl.BlockSpec((NC, _BLK, DH), lambda i: (0, i, 0)),
    ],
    out_shape=[
        jax.ShapeDtypeStruct((NC, N, DH), jnp.float32),
        jax.ShapeDtypeStruct((N // _BLK, _BLK), jnp.float32),
        jax.ShapeDtypeStruct((NC, N, DH), jnp.float32),
    ],
)


K3_K = 80
K3_ROWS = E // K3_K // NS
RPT = N // NS


@functools.partial(
    pl.kernel,
    out_type=jax.ShapeDtypeStruct((N, D), jnp.float32),
    mesh=_MESH,
    scratch_types=[
        pltpu.VMEM((2, K3_K), jnp.int32),
        pltpu.VMEM((2, K3_K), jnp.int32),
        pltpu.VMEM((2, K3_K), jnp.float32),
        pltpu.VMEM((2, K3_K), jnp.int32),
        pltpu.VMEM((2, K3_K), jnp.int32),
        pltpu.VMEM((2, K3_K), jnp.float32),
        pltpu.VMEM((N,), jnp.float32),
        pltpu.VMEM((2, K3_K, DH), jnp.float32),
        pltpu.VMEM_SHARED((N, DH), jnp.float32),
        pltpu.SemaphoreType.DMA((2,)),
        pltpu.SemaphoreType.DMA((2,)),
        pltpu.SemaphoreType.DMA((2,)),
        pltpu.SemaphoreType.DMA((2,)),
        pltpu.SemaphoreType.DMA((2,)),
    ],
    compiler_params=_SC_PARAMS,
)
def _edge_kernel(row_hbm, col_hbm, ew_hbm, dis_hbm, xw_hbm, ob_hbm, out_hbm,
                 rowm, colm, ewm, gidx, sidx, normv, disv, gbuf, acc,
                 msr, msc, msw, gsem, ssem):
    c = lax.axis_index("c")
    s = lax.axis_index("s")

    pltpu.sync_copy(ob_hbm.at[c, pl.ds(s * RPT, RPT)],
                    acc.at[pl.ds(s * RPT, RPT)])

    pltpu.sync_copy(dis_hbm, disv)
    t0 = s * (E // NS)
    coff = c * N
    plsc.subcore_barrier()

    def meta_start(i, buf):
        base = t0 + i * K3_K
        pltpu.async_copy(row_hbm.at[pl.ds(base, K3_K)], rowm.at[buf],
                         msr.at[buf])
        pltpu.async_copy(col_hbm.at[pl.ds(base, K3_K)], colm.at[buf],
                         msc.at[buf])
        pltpu.async_copy(ew_hbm.at[pl.ds(base, K3_K)], ewm.at[buf],
                         msw.at[buf])

    def meta_wait(i, buf):
        base = t0 + i * K3_K
        pltpu.make_async_copy(row_hbm.at[pl.ds(base, K3_K)], rowm.at[buf],
                              msr.at[buf]).wait()
        pltpu.make_async_copy(col_hbm.at[pl.ds(base, K3_K)], colm.at[buf],
                              msc.at[buf]).wait()
        pltpu.make_async_copy(ew_hbm.at[pl.ds(base, K3_K)], ewm.at[buf],
                              msw.at[buf]).wait()

    def compute_meta(buf):
        for j in range(K3_K // L):
            sl = pl.ds(j * L, L)
            rv = rowm[buf, sl]
            cv = colm[buf, sl]
            wv = ewm[buf, sl]
            dr = plsc.load_gather(disv, [rv])
            dc = plsc.load_gather(disv, [cv])
            normv[buf, sl] = dr * wv * dc
            gidx[buf, sl] = rv + coff
            sidx[buf, sl] = cv

    def gather_start(buf):
        pltpu.async_copy(xw_hbm.at[gidx.at[buf]], gbuf.at[buf], gsem.at[buf])

    def gather_wait(buf):
        pltpu.make_async_copy(xw_hbm.at[gidx.at[buf]], gbuf.at[buf],
                              gsem.at[buf]).wait()

    def scale_rows(buf):
        @plsc.parallel_loop(0, K3_K, unroll=4)
        def scale(e):
            ns = plsc.load_gather(normv.at[buf],
                                  [jnp.full((L,), e, jnp.int32)])
            for q in range(DH // L):
                qs = pl.ds(q * L, L)
                gbuf[buf, e, qs] = gbuf[buf, e, qs] * ns

    def scatter_start(buf):
        pltpu.async_copy(gbuf.at[buf], acc.at[sidx.at[buf]], ssem.at[buf],
                         add=True)

    def scatter_wait(buf):
        pltpu.make_async_copy(gbuf.at[buf], acc.at[sidx.at[buf]],
                              ssem.at[buf]).wait()

    meta_start(0, 0)
    meta_wait(0, 0)

    def step(i, carry):
        cur = i % 2
        nxt = 1 - cur

        @pl.when(i < K3_ROWS - 1)
        def _():
            meta_start(i + 1, nxt)

        @pl.when(i >= 2)
        def _():
            scatter_wait(cur)

        @pl.when(i >= 1)
        def _():
            meta_wait(i, cur)

        compute_meta(cur)
        gather_start(cur)

        @pl.when(i >= 1)
        def _():
            gather_wait(nxt)
            scale_rows(nxt)
            scatter_start(nxt)

        return carry

    lax.fori_loop(0, K3_ROWS, step, 0)

    last = (K3_ROWS - 1) % 2
    gather_wait(last)
    scale_rows(last)
    scatter_start(last)
    scatter_wait(1 - last)
    scatter_wait(last)

    plsc.subcore_barrier()
    pltpu.sync_copy(acc.at[pl.ds(s * RPT, RPT)],
                    out_hbm.at[pl.ds(s * RPT, RPT), pl.ds(c * DH, DH)])


def kernel(x, edge_index, edge_weight, W, b):
    row = edge_index[0].astype(jnp.int32)
    col = edge_index[1].astype(jnp.int32)
    ew = edge_weight.astype(jnp.float32)

    degp = _deg_kernel(col.reshape(E // K1_K, K1_K),
                       ew.reshape(E // K1_K, K1_K))

    d0 = degp[0].reshape(P)[:N].reshape(N // _BLK, _BLK)
    d1 = degp[1].reshape(P)[:N].reshape(N // _BLK, _BLK)
    xw, dis, ob = _tc(x.astype(jnp.float32), W, b.reshape(1, D), d0, d1)

    out = _edge_kernel(row, col, ew, dis.reshape(N),
                       xw.reshape(NC * N, DH), ob)
    return out

# --- scband reference (transcript-rebuilt; emitter-appended) ---
"""Pipeline reference for scband-one-layer-gcn-86577950753175 (READ-ONLY COPY).

The authoritative reference and input builder live on the scoring server;
editing this copy changes nothing except your own understanding.
"""

import jax, jax.numpy as jnp
import numpy as np

N = 10000
E = 160000
D_IN = 256
D_OUT = 256


def setup_inputs(seed: int = 0) -> dict:
    key = jax.random.key(seed)
    k1, k2, k3, k4, k5 = jax.random.split(key, 5)
    x = jax.random.normal(k1, (N, D_IN), dtype=jnp.float32)
    edge_index = jax.random.randint(k2, (2, E), 0, N)
    edge_weight = jax.random.uniform(k3, (E,), dtype=jnp.float32)
    # GCNConv learned parameters: weight [D_IN, D_OUT] (glorot), bias [D_OUT]
    W = jax.random.normal(k4, (D_IN, D_OUT), dtype=jnp.float32) * (1.0 / np.sqrt(D_IN))
    b = jax.random.normal(k5, (D_OUT,), dtype=jnp.float32) * 0.01
    return {"x": x, "edge_index": edge_index, "edge_weight": edge_weight, "W": W, "b": b}


def reference(x, edge_index, edge_weight, W, b):
    # Faithful translation of PyG GCNConv with edge_weight:
    # 1) add self loops (weight 1), 2) symmetric gcn normalization,
    # 3) linear transform, 4) weighted scatter-add aggregation, 5) bias.
    row = edge_index[0]
    col = edge_index[1]
    loop = jnp.arange(N, dtype=row.dtype)
    row2 = jnp.concatenate([row, loop])
    col2 = jnp.concatenate([col, loop])
    ew2 = jnp.concatenate([edge_weight, jnp.ones((N,), dtype=edge_weight.dtype)])
    # degree computed on destination (col) per source_to_target flow
    deg = jax.ops.segment_sum(ew2, col2, num_segments=N)
    deg_inv_sqrt = jnp.where(deg > 0, jax.lax.rsqrt(jnp.where(deg > 0, deg, 1.0)), 0.0)
    norm = deg_inv_sqrt[row2] * ew2 * deg_inv_sqrt[col2]
    xw = x @ W
    msg = xw[row2] * norm[:, None]
    out = jax.ops.segment_sum(msg, col2, num_segments=N)
    return out + b

if __name__ == "__main__":
    import jax
    _d = setup_inputs()
    print(jax.jit(kernel)(*tuple(_d.values())))

</pallas_src>

<mosaic_0001>
#map = affine_map<(d0, d1) -> (0)>
#map1 = affine_map<(d0, d1) -> (0, 0)>
#map2 = affine_map<(d0, d1) -> (0, 0, 0)>
module attributes {stable_mosaic.version = 14 : i64} {
  func.func @_edge_kernel(%arg0: i32, %arg1: i32, %arg2: memref<160000xi32, #tpu.memory_space<hbm>>, %arg3: memref<160000xi32, #tpu.memory_space<hbm>>, %arg4: memref<160000xf32, #tpu.memory_space<hbm>>, %arg5: memref<10000xf32, #tpu.memory_space<hbm>>, %arg6: memref<20000x128xf32, #tpu.memory_space<hbm>>, %arg7: memref<2x10000x128xf32, #tpu.memory_space<hbm>>, %arg8: memref<10000x256xf32, #tpu.memory_space<hbm>>, %arg9: memref<2x80xi32, #tpu.memory_space<vmem>>, %arg10: memref<2x80xi32, #tpu.memory_space<vmem>>, %arg11: memref<2x80xf32, #tpu.memory_space<vmem>>, %arg12: memref<2x80xi32, #tpu.memory_space<vmem>>, %arg13: memref<2x80xi32, #tpu.memory_space<vmem>>, %arg14: memref<2x80xf32, #tpu.memory_space<vmem>>, %arg15: memref<10000xf32, #tpu.memory_space<vmem>>, %arg16: memref<2x80x128xf32, #tpu.memory_space<vmem>>, %arg17: memref<10000x128xf32, #tpu.memory_space<vmem_shared>>, %arg18: memref<2x!tpu.dma_semaphore, #tpu.memory_space<semaphore_mem>>, %arg19: memref<2x!tpu.dma_semaphore, #tpu.memory_space<semaphore_mem>>, %arg20: memref<2x!tpu.dma_semaphore, #tpu.memory_space<semaphore_mem>>, %arg21: memref<2x!tpu.dma_semaphore, #tpu.memory_space<semaphore_mem>>, %arg22: memref<2x!tpu.dma_semaphore, #tpu.memory_space<semaphore_mem>>) attributes {dimension_semantics = [#tpu.dimension_semantics<core_parallel>, #tpu.dimension_semantics<subcore_parallel>], iteration_bounds = array<i64: 2, 16>, scalar_prefetch = 0 : i64, scratch_operands = 14 : i64, tpu.core_type = #tpu.core_type<sc_vector_subcore>, window_params = [{transform_indices = #map}, {transform_indices = #map}, {transform_indices = #map}, {transform_indices = #map}, {transform_indices = #map1}, {transform_indices = #map2}, {transform_indices = #map1}]} {
    %mul3A = arith.constant 625 : i32
    %mul3A_0 = arith.muli %arg1, %mul3A : i32
    %mul3A_1 = arith.constant 625 : i32
    %mul3A_2 = arith.muli %arg1, %mul3A_1 : i32
    "tpu.region"() ({
      %run_scoped3A = tpu.sem_alloc : memref<!tpu.dma_semaphore, #tpu.memory_space<semaphore_mem>>
      %dma_start3A_154 = arith.constant 0 : i32
      %dma_start3A_155 = tpu.memref_slice %arg17[%mul3A_2, %dma_start3A_154] : memref<10000x128xf32, #tpu.memory_space<vmem_shared>> -> memref<625x128xf32, #tpu.memory_space<vmem_shared>>
      %dma_start3A_156 = arith.constant 0 : i32
      %dma_start3A_157 = tpu.memref_slice %arg7[%arg0, %mul3A_0, %dma_start3A_156] : memref<2x10000x128xf32, #tpu.memory_space<hbm>> -> memref<1x625x128xf32, #tpu.memory_space<hbm>>
      %dma_start3A_158 = tpu.memref_squeeze %dma_start3A_157 : memref<1x625x128xf32, #tpu.memory_space<hbm>> -> memref<625x128xf32, #tpu.memory_space<hbm>>
      tpu.enqueue_dma source(%dma_start3A_158 : memref<625x128xf32, #tpu.memory_space<hbm>>) target(%dma_start3A_155 : memref<625x128xf32, #tpu.memory_space<vmem_shared>>) target_semaphore(%run_scoped3A : memref<!tpu.dma_semaphore, #tpu.memory_space<semaphore_mem>>)
      %dma_wait3A_159 = arith.constant 0 : i32
      %dma_wait3A_160 = tpu.memref_slice %arg17[%mul3A_2, %dma_wait3A_159] : memref<10000x128xf32, #tpu.memory_space<vmem_shared>> -> memref<625x128xf32, #tpu.memory_space<vmem_shared>>
      %dma_wait3A_161 = arith.constant 0 : i32
      %dma_wait3A_162 = tpu.memref_slice %arg7[%arg0, %mul3A_0, %dma_wait3A_161] : memref<2x10000x128xf32, #tpu.memory_space<hbm>> -> memref<1x625x128xf32, #tpu.memory_space<hbm>>
      %dma_wait3A_163 = tpu.memref_squeeze %dma_wait3A_162 : memref<1x625x128xf32, #tpu.memory_space<hbm>> -> memref<625x128xf32, #tpu.memory_space<hbm>>
      tpu.wait_dma2 semaphore(%run_scoped3A : memref<!tpu.dma_semaphore, #tpu.memory_space<semaphore_mem>>) src(%dma_wait3A_163 : memref<625x128xf32, #tpu.memory_space<hbm>>) dst(%dma_wait3A_160 : memref<625x128xf32, #tpu.memory_space<vmem_shared>>)
      tpu.yield
    }) : () -> ()
    "tpu.region"() ({
      %run_scoped3A = tpu.sem_alloc : memref<!tpu.dma_semaphore, #tpu.memory_space<semaphore_mem>>
      tpu.enqueue_dma source(%arg5 : memref<10000xf32, #tpu.memory_space<hbm>>) target(%arg15 : memref<10000xf32, #tpu.memory_space<vmem>>) target_semaphore(%run_scoped3A : memref<!tpu.dma_semaphore, #tpu.memory_space<semaphore_mem>>)
      tpu.wait_dma2 semaphore(%run_scoped3A : memref<!tpu.dma_semaphore, #tpu.memory_space<semaphore_mem>>) src(%arg5 : memref<10000xf32, #tpu.memory_space<hbm>>) dst(%arg15 : memref<10000xf32, #tpu.memory_space<vmem>>)
      tpu.yield
    }) : () -> ()
    %mul3A_3 = arith.constant 10000 : i32
    %mul3A_4 = arith.muli %arg1, %mul3A_3 : i32
    %mul3A_5 = arith.constant 10000 : i32
    %mul3A_6 = arith.muli %arg0, %mul3A_5 : i32
    %barrier3A = arith.constant 0 : index
    tpu.barrier barrier_id(%barrier3A)
    %add3A = arith.constant 0 : i32
    %add3A_7 = arith.addi %mul3A_4, %add3A : i32
    %dma_start3A = arith.constant 0 : i32
    %dma_start3A_8 = arith.constant 0 : i32
    %dma_start3A_9 = arith.constant 0 : i32
    %dma_start3A_10 = tpu.memref_slice %arg9[%dma_start3A, %dma_start3A_9] : memref<2x80xi32, #tpu.memory_space<vmem>> -> memref<1x80xi32, #tpu.memory_space<vmem>>
    %dma_start3A_11 = tpu.memref_squeeze %dma_start3A_10 : memref<1x80xi32, #tpu.memory_space<vmem>> -> memref<80xi32, #tpu.memory_space<vmem>>
    %dma_start3A_12 = tpu.memref_slice %arg2[%add3A_7] : memref<160000xi32, #tpu.memory_space<hbm>> -> memref<80xi32, #tpu.memory_space<hbm>>
    %dma_start3A_13 = tpu.memref_slice %arg18[%dma_start3A_8] : memref<2x!tpu.dma_semaphore, #tpu.memory_space<semaphore_mem>> -> memref<1x!tpu.dma_semaphore, #tpu.memory_space<semaphore_mem>>
    %dma_start3A_14 = tpu.memref_squeeze %dma_start3A_13 : memref<1x!tpu.dma_semaphore, #tpu.memory_space<semaphore_mem>> -> memref<!tpu.dma_semaphore, #tpu.memory_space<semaphore_mem>>
    %dma_start3A_15 = arith.constant 0 : i32
    %dma_start3A_16 = tpu.memref_slice %arg9[%dma_start3A, %dma_start3A_15] : memref<2x80xi32, #tpu.memory_space<vmem>> -> memref<1x80xi32, #tpu.memory_space<vmem>>
    %dma_start3A_17 = tpu.memref_squeeze %dma_start3A_16 : memref<1x80xi32, #tpu.memory_space<vmem>> -> memref<80xi32, #tpu.memory_space<vmem>>
    %dma_start3A_18 = tpu.memref_slice %arg2[%add3A_7] : memref<160000xi32, #tpu.memory_space<hbm>> -> memref<80xi32, #tpu.memory_space<hbm>>
    tpu.enqueue_dma source(%dma_start3A_18 : memref<80xi32, #tpu.memory_space<hbm>>) target(%dma_start3A_17 : memref<80xi32, #tpu.memory_space<vmem>>) target_semaphore(%dma_start3A_14 : memref<!tpu.dma_semaphore, #tpu.memory_space<semaphore_mem>>)
    %dma_start3A_19 = arith.constant 0 : i32
    %dma_start3A_20 = arith.constant 0 : i32
    %dma_start3A_21 = arith.constant 0 : i32
    %dma_start3A_22 = tpu.memref_slice %arg10[%dma_start3A_19, %dma_start3A_21] : memref<2x80xi32, #tpu.memory_space<vmem>> -> memref<1x80xi32, #tpu.memory_space<vmem>>
    %dma_start3A_23 = tpu.memref_squeeze %dma_start3A_22 : memref<1x80xi32, #tpu.memory_space<vmem>> -> memref<80xi32, #tpu.memory_space<vmem>>
    %dma_start3A_24 = tpu.memref_slice %arg3[%add3A_7] : memref<160000xi32, #tpu.memory_space<hbm>> -> memref<80xi32, #tpu.memory_space<hbm>>
    %dma_start3A_25 = tpu.memref_slice %arg19[%dma_start3A_20] : memref<2x!tpu.dma_semaphore, #tpu.memory_space<semaphore_mem>> -> memref<1x!tpu.dma_semaphore, #tpu.memory_space<semaphore_mem>>
    %dma_start3A_26 = tpu.memref_squeeze %dma_start3A_25 : memref<1x!tpu.dma_semaphore, #tpu.memory_space<semaphore_mem>> -> memref<!tpu.dma_semaphore, #tpu.memory_space<semaphore_mem>>
    %dma_start3A_27 = arith.constant 0 : i32
    %dma_start3A_28 = tpu.memref_slice %arg10[%dma_start3A_19, %dma_start3A_27] : memref<2x80xi32, #tpu.memory_space<vmem>> -> memref<1x80xi32, #tpu.memory_space<vmem>>
    %dma_start3A_29 = tpu.memref_squeeze %dma_start3A_28 : memref<1x80xi32, #tpu.memory_space<vmem>> -> memref<80xi32, #tpu.memory_space<vmem>>
    %dma_start3A_30 = tpu.memref_slice %arg3[%add3A_7] : memref<160000xi32, #tpu.memory_space<hbm>> -> memref<80xi32, #tpu.memory_space<hbm>>
    tpu.enqueue_dma source(%dma_start3A_30 : memref<80xi32, #tpu.memory_space<hbm>>) target(%dma_start3A_29 : memref<80xi32, #tpu.memory_space<vmem>>) target_semaphore(%dma_start3A_26 : memref<!tpu.dma_semaphore, #tpu.memory_space<semaphore_mem>>)
    %dma_start3A_31 = arith.constant 0 : i32
    %dma_start3A_32 = arith.constant 0 : i32
    %dma_start3A_33 = arith.constant 0 : i32
    %dma_start3A_34 = tpu.memref_slice %arg11[%dma_start3A_31, %dma_start3A_33] : memref<2x80xf32, #tpu.memory_space<vmem>> -> memref<1x80xf32, #tpu.memory_space<vmem>>
    %dma_start3A_35 = tpu.memref_squeeze %dma_start3A_34 : memref<1x80xf32, #tpu.memory_space<vmem>> -> memref<80xf32, #tpu.memory_space<vmem>>
    %dma_start3A_36 = tpu.memref_slice %arg4[%add3A_7] : memref<160000xf32, #tpu.memory_space<hbm>> -> memref<80xf32, #tpu.memory_space<hbm>>
    %dma_start3A_37 = tpu.memref_slice %arg20[%dma_start3A_32] : memref<2x!tpu.dma_semaphore, #tpu.memory_space<semaphore_mem>> -> memref<1x!tpu.dma_semaphore, #tpu.memory_space<semaphore_mem>>
    %dma_start3A_38 = tpu.memref_squeeze %dma_start3A_37 : memref<1x!tpu.dma_semaphore, #tpu.memory_space<semaphore_mem>> -> memref<!tpu.dma_semaphore, #tpu.memory_space<semaphore_mem>>
    %dma_start3A_39 = arith.constant 0 : i32
    %dma_start3A_40 = tpu.memref_slice %arg11[%dma_start3A_31, %dma_start3A_39] : memref<2x80xf32, #tpu.memory_space<vmem>> -> memref<1x80xf32, #tpu.memory_space<vmem>>
    %dma_start3A_41 = tpu.memref_squeeze %dma_start3A_40 : memref<1x80xf32, #tpu.memory_space<vmem>> -> memref<80xf32, #tpu.memory_space<vmem>>
    %dma_start3A_42 = tpu.memref_slice %arg4[%add3A_7] : memref<160000xf32, #tpu.memory_space<hbm>> -> memref<80xf32, #tpu.memory_space<hbm>>
    tpu.enqueue_dma source(%dma_start3A_42 : memref<80xf32, #tpu.memory_space<hbm>>) target(%dma_start3A_41 : memref<80xf32, #tpu.memory_space<vmem>>) target_semaphore(%dma_start3A_38 : memref<!tpu.dma_semaphore, #tpu.memory_space<semaphore_mem>>)
    %add3A_43 = arith.constant 0 : i32
    %add3A_44 = arith.addi %mul3A_4, %add3A_43 : i32
    %dma_wait3A = arith.constant 0 : i32
    %dma_wait3A_45 = arith.constant 0 : i32
    %dma_wait3A_46 = arith.constant 0 : i32
    %dma_wait3A_47 = tpu.memref_slice %arg9[%dma_wait3A, %dma_wait3A_46] : memref<2x80xi32, #tpu.memory_space<vmem>> -> memref<1x80xi32, #tpu.memory_space<vmem>>
    %dma_wait3A_48 = tpu.memref_squeeze %dma_wait3A_47 : memref<1x80xi32, #tpu.memory_space<vmem>> -> memref<80xi32, #tpu.memory_space<vmem>>
    %dma_wait3A_49 = tpu.memref_slice %arg2[%add3A_44] : memref<160000xi32, #tpu.memory_space<hbm>> -> memref<80xi32, #tpu.memory_space<hbm>>
    %dma_wait3A_50 = tpu.memref_slice %arg18[%dma_wait3A_45] : memref<2x!tpu.dma_semaphore, #tpu.memory_space<semaphore_mem>> -> memref<1x!tpu.dma_semaphore, #tpu.memory_space<semaphore_mem>>
    %dma_wait3A_51 = tpu.memref_squeeze %dma_wait3A_50 : memref<1x!tpu.dma_semaphore, #tpu.memory_space<semaphore_mem>> -> memref<!tpu.dma_semaphore, #tpu.memory_space<semaphore_mem>>
    %dma_wait3A_52 = arith.constant 0 : i32
    %dma_wait3A_53 = tpu.memref_slice %arg9[%dma_wait3A, %dma_wait3A_52] : memref<2x80xi32, #tpu.memory_space<vmem>> -> memref<1x80xi32, #tpu.memory_space<vmem>>
    %dma_wait3A_54 = tpu.memref_squeeze %dma_wait3A_53 : memref<1x80xi32, #tpu.memory_space<vmem>> -> memref<80xi32, #tpu.memory_space<vmem>>
    %dma_wait3A_55 = tpu.memref_slice %arg2[%add3A_44] : memref<160000xi32, #tpu.memory_space<hbm>> -> memref<80xi32, #tpu.memory_space<hbm>>
    tpu.wait_dma2 semaphore(%dma_wait3A_51 : memref<!tpu.dma_semaphore, #tpu.memory_space<semaphore_mem>>) src(%dma_wait3A_55 : memref<80xi32, #tpu.memory_space<hbm>>) dst(%dma_wait3A_54 : memref<80xi32, #tpu.memory_space<vmem>>)
    %dma_wait3A_56 = arith.constant 0 : i32
    %dma_wait3A_57 = arith.constant 0 : i32
    %dma_wait3A_58 = arith.constant 0 : i32
    %dma_wait3A_59 = tpu.memref_slice %arg10[%dma_wait3A_56, %dma_wait3A_58] : memref<2x80xi32, #tpu.memory_space<vmem>> -> memref<1x80xi32, #tpu.memory_space<vmem>>
    %dma_wait3A_60 = tpu.memref_squeeze %dma_wait3A_59 : memref<1x80xi32, #tpu.memory_space<vmem>> -> memref<80xi32, #tpu.memory_space<vmem>>
    %dma_wait3A_61 = tpu.memref_slice %arg3[%add3A_44] : memref<160000xi32, #tpu.memory_space<hbm>> -> memref<80xi32, #tpu.memory_space<hbm>>
    %dma_wait3A_62 = tpu.memref_slice %arg19[%dma_wait3A_57] : memref<2x!tpu.dma_semaphore, #tpu.memory_space<semaphore_mem>> -> memref<1x!tpu.dma_semaphore, #tpu.memory_space<semaphore_mem>>
    %dma_wait3A_63 = tpu.memref_squeeze %dma_wait3A_62 : memref<1x!tpu.dma_semaphore, #tpu.memory_space<semaphore_mem>> -> memref<!tpu.dma_semaphore, #tpu.memory_space<semaphore_mem>>
    %dma_wait3A_64 = arith.constant 0 : i32
    %dma_wait3A_65 = tpu.memref_slice %arg10[%dma_wait3A_56, %dma_wait3A_64] : memref<2x80xi32, #tpu.memory_space<vmem>> -> memref<1x80xi32, #tpu.memory_space<vmem>>
    %dma_wait3A_66 = tpu.memref_squeeze %dma_wait3A_65 : memref<1x80xi32, #tpu.memory_space<vmem>> -> memref<80xi32, #tpu.memory_space<vmem>>
    %dma_wait3A_67 = tpu.memref_slice %arg3[%add3A_44] : memref<160000xi32, #tpu.memory_space<hbm>> -> memref<80xi32, #tpu.memory_space<hbm>>
    tpu.wait_dma2 semaphore(%dma_wait3A_63 : memref<!tpu.dma_semaphore, #tpu.memory_space<semaphore_mem>>) src(%dma_wait3A_67 : memref<80xi32, #tpu.memory_space<hbm>>) dst(%dma_wait3A_66 : memref<80xi32, #tpu.memory_space<vmem>>)
    %dma_wait3A_68 = arith.constant 0 : i32
    %dma_wait3A_69 = arith.constant 0 : i32
    %dma_wait3A_70 = arith.constant 0 : i32
    %dma_wait3A_71 = tpu.memref_slice %arg11[%dma_wait3A_68, %dma_wait3A_70] : memref<2x80xf32, #tpu.memory_space<vmem>> -> memref<1x80xf32, #tpu.memory_space<vmem>>
    %dma_wait3A_72 = tpu.memref_squeeze %dma_wait3A_71 : memref<1x80xf32, #tpu.memory_space<vmem>> -> memref<80xf32, #tpu.memory_space<vmem>>
    %dma_wait3A_73 = tpu.memref_slice %arg4[%add3A_44] : memref<160000xf32, #tpu.memory_space<hbm>> -> memref<80xf32, #tpu.memory_space<hbm>>
    %dma_wait3A_74 = tpu.memref_slice %arg20[%dma_wait3A_69] : memref<2x!tpu.dma_semaphore, #tpu.memory_space<semaphore_mem>> -> memref<1x!tpu.dma_semaphore, #tpu.memory_space<semaphore_mem>>
    %dma_wait3A_75 = tpu.memref_squeeze %dma_wait3A_74 : memref<1x!tpu.dma_semaphore, #tpu.memory_space<semaphore_mem>> -> memref<!tpu.dma_semaphore, #tpu.memory_space<semaphore_mem>>
    %dma_wait3A_76 = arith.constant 0 : i32
    %dma_wait3A_77 = tpu.memref_slice %arg11[%dma_wait3A_68, %dma_wait3A_76] : memref<2x80xf32, #tpu.memory_space<vmem>> -> memref<1x80xf32, #tpu.memory_space<vmem>>
    %dma_wait3A_78 = tpu.memref_squeeze %dma_wait3A_77 : memref<1x80xf32, #tpu.memory_space<vmem>> -> memref<80xf32, #tpu.memory_space<vmem>>
    %dma_wait3A_79 = tpu.memref_slice %arg4[%add3A_44] : memref<160000xf32, #tpu.memory_space<hbm>> -> memref<80xf32, #tpu.memory_space<hbm>>
    tpu.wait_dma2 semaphore(%dma_wait3A_75 : memref<!tpu.dma_semaphore, #tpu.memory_space<semaphore_mem>>) src(%dma_wait3A_79 : memref<80xf32, #tpu.memory_space<hbm>>) dst(%dma_wait3A_78 : memref<80xf32, #tpu.memory_space<vmem>>)
    %scan3A = arith.constant 0 : i32
    %scan3A_80 = arith.constant 0 : i32
    %scan3A_81 = arith.constant 125 : i32
    %scan3A_82 = arith.addi %scan3A_80, %scan3A_81 : i32
    %scan3A_83 = arith.constant 1 : i32
    scf.for %scan3A_154 = %scan3A_80 to %scan3A_82 step %scan3A_83  : i32 {
      %jit3A = arith.constant 2 : i32
      %eq3A = arith.constant 0 : i32
      %eq3A_155 = arith.cmpi eq, %jit3A, %eq3A : i32
      %jit3A_156 = arith.constant 1 : i32
      %select_n3A = arith.select %eq3A_155, %jit3A_156, %jit3A : i32
      %rem3A = arith.remsi %scan3A_154, %select_n3A : i32
      %ne3A = arith.constant 0 : i32
      %ne3A_157 = arith.cmpi ne, %rem3A, %ne3A : i32
      %lt3A = arith.constant 0 : i32
      %lt3A_158 = arith.cmpi slt, %rem3A, %lt3A : i32
      %lt3A_159 = arith.constant 0 : i32
      %lt3A_160 = arith.cmpi slt, %select_n3A, %lt3A_159 : i32
      %ne3A_161 = arith.xori %lt3A_158, %lt3A_160 : i1
      %and3A = arith.andi %ne3A_161, %ne3A_157 : i1
      %add3A_162 = arith.addi %rem3A, %select_n3A : i32
      %select_n3A_163 = arith.select %and3A, %add3A_162, %rem3A : i32
      %sub3A = arith.constant 1 : i32
      %sub3A_164 = arith.subi %sub3A, %select_n3A_163 : i32
      %lt3A_165 = arith.constant 124 : i32
      %lt3A_166 = arith.cmpi slt, %scan3A_154, %lt3A_165 : i32
      %convert_element_type3A = arith.extui %lt3A_166 : i1 to i32
      %cond3A = arith.constant 0 : i32
      %cond3A_167 = arith.cmpi ne, %convert_element_type3A, %cond3A : i32
      scf.if %cond3A_167 {
        %add3A_311 = arith.constant 1 : i32
        %add3A_312 = arith.addi %scan3A_154, %add3A_311 : i32
        %mul3A_313 = arith.constant 80 : i32
        %mul3A_314 = arith.muli %add3A_312, %mul3A_313 : i32
        %add3A_315 = arith.addi %mul3A_4, %mul3A_314 : i32
        %dma_start3A_316 = arith.constant 0 : i32
        %dma_start3A_317 = tpu.memref_slice %arg9[%sub3A_164, %dma_start3A_316] : memref<2x80xi32, #tpu.memory_space<vmem>> -> memref<1x80xi32, #tpu.memory_space<vmem>>
        %dma_start3A_318 = tpu.memref_squeeze %dma_start3A_317 : memref<1x80xi32, #tpu.memory_space<vmem>> -> memref<80xi32, #tpu.memory_space<vmem>>
        %dma_start3A_319 = tpu.memref_slice %arg2[%add3A_315] : memref<160000xi32, #tpu.memory_space<hbm>> -> memref<80xi32, #tpu.memory_space<hbm>>
        %dma_start3A_320 = tpu.memref_slice %arg18[%sub3A_164] : memref<2x!tpu.dma_semaphore, #tpu.memory_space<semaphore_mem>> -> memref<1x!tpu.dma_semaphore, #tpu.memory_space<semaphore_mem>>
        %dma_start3A_321 = tpu.memref_squeeze %dma_start3A_320 : memref<1x!tpu.dma_semaphore, #tpu.memory_space<semaphore_mem>> -> memref<!tpu.dma_semaphore, #tpu.memory_space<semaphore_mem>>
        %dma_start3A_322 = arith.constant 0 : i32
        %dma_start3A_323 = tpu.memref_slice %arg9[%sub3A_164, %dma_start3A_322] : memref<2x80xi32, #tpu.memory_space<vmem>> -> memref<1x80xi32, #tpu.memory_space<vmem>>
        %dma_start3A_324 = tpu.memref_squeeze %dma_start3A_323 : memref<1x80xi32, #tpu.memory_space<vmem>> -> memref<80xi32, #tpu.memory_space<vmem>>
        %dma_start3A_325 = tpu.memref_slice %arg2[%add3A_315] : memref<160000xi32, #tpu.memory_space<hbm>> -> memref<80xi32, #tpu.memory_space<hbm>>
        tpu.enqueue_dma source(%dma_start3A_325 : memref<80xi32, #tpu.memory_space<hbm>>) target(%dma_start3A_324 : memref<80xi32, #tpu.memory_space<vmem>>) target_semaphore(%dma_start3A_321 : memref<!tpu.dma_semaphore, #tpu.memory_space<semaphore_mem>>)
        %dma_start3A_326 = arith.constant 0 : i32
        %dma_start3A_327 = tpu.memref_slice %arg10[%sub3A_164, %dma_start3A_326] : memref<2x80xi32, #tpu.memory_space<vmem>> -> memref<1x80xi32, #tpu.memory_space<vmem>>
        %dma_start3A_328 = tpu.memref_squeeze %dma_start3A_327 : memref<1x80xi32, #tpu.memory_space<vmem>> -> memref<80xi32, #tpu.memory_space<vmem>>
        %dma_start3A_329 = tpu.memref_slice %arg3[%add3A_315] : memref<160000xi32, #tpu.memory_space<hbm>> -> memref<80xi32, #tpu.memory_space<hbm>>
        %dma_start3A_330 = tpu.memref_slice %arg19[%sub3A_164] : memref<2x!tpu.dma_semaphore, #tpu.memory_space<semaphore_mem>> -> memref<1x!tpu.dma_semaphore, #tpu.memory_space<semaphore_mem>>
        %dma_start3A_331 = tpu.memref_squeeze %dma_start3A_330 : memref<1x!tpu.dma_semaphore, #tpu.memory_space<semaphore_mem>> -> memref<!tpu.dma_semaphore, #tpu.memory_space<semaphore_mem>>
        %dma_start3A_332 = arith.constant 0 : i32
        %dma_start3A_333 = tpu.memref_slice %arg10[%sub3A_164, %dma_start3A_332] : memref<2x80xi32, #tpu.memory_space<vmem>> -> memref<1x80xi32, #tpu.memory_space<vmem>>
        %dma_start3A_334 = tpu.memref_squeeze %dma_start3A_333 : memref<1x80xi32, #tpu.memory_space<vmem>> -> memref<80xi32, #tpu.memory_space<vmem>>
        %dma_start3A_335 = tpu.memref_slice %arg3[%add3A_315] : memref<160000xi32, #tpu.memory_space<hbm>> -> memref<80xi32, #tpu.memory_space<hbm>>
        tpu.enqueue_dma source(%dma_start3A_335 : memref<80xi32, #tpu.memory_space<hbm>>) target(%dma_start3A_334 : memref<80xi32, #tpu.memory_space<vmem>>) target_semaphore(%dma_start3A_331 : memref<!tpu.dma_semaphore, #tpu.memory_space<semaphore_mem>>)
        %dma_start3A_336 = arith.constant 0 : i32
        %dma_start3A_337 = tpu.memref_slice %arg11[%sub3A_164, %dma_start3A_336] : memref<2x80xf32, #tpu.memory_space<vmem>> -> memref<1x80xf32, #tpu.memory_space<vmem>>
        %dma_start3A_338 = tpu.memref_squeeze %dma_start3A_337 : memref<1x80xf32, #tpu.memory_space<vmem>> -> memref<80xf32, #tpu.memory_space<vmem>>
        %dma_start3A_339 = tpu.memref_slice %arg4[%add3A_315] : memref<160000xf32, #tpu.memory_space<hbm>> -> memref<80xf32, #tpu.memory_space<hbm>>
        %dma_start3A_340 = tpu.memref_slice %arg20[%sub3A_164] : memref<2x!tpu.dma_semaphore, #tpu.memory_space<semaphore_mem>> -> memref<1x!tpu.dma_semaphore, #tpu.memory_space<semaphore_mem>>
        %dma_start3A_341 = tpu.memref_squeeze %dma_start3A_340 : memref<1x!tpu.dma_semaphore, #tpu.memory_space<semaphore_mem>> -> memref<!tpu.dma_semaphore, #tpu.memory_space<semaphore_mem>>
        %dma_start3A_342 = arith.constant 0 : i32
        %dma_start3A_343 = tpu.memref_slice %arg11[%sub3A_164, %dma_start3A_342] : memref<2x80xf32, #tpu.memory_space<vmem>> -> memref<1x80xf32, #tpu.memory_space<vmem>>
        %dma_start3A_344 = tpu.memref_squeeze %dma_start3A_343 : memref<1x80xf32, #tpu.memory_space<vmem>> -> memref<80xf32, #tpu.memory_space<vmem>>
        %dma_start3A_345 = tpu.memref_slice %arg4[%add3A_315] : memref<160000xf32, #tpu.memory_space<hbm>> -> memref<80xf32, #tpu.memory_space<hbm>>
        tpu.enqueue_dma source(%dma_start3A_345 : memref<80xf32, #tpu.memory_space<hbm>>) target(%dma_start3A_344 : memref<80xf32, #tpu.memory_space<vmem>>) target_semaphore(%dma_start3A_341 : memref<!tpu.dma_semaphore, #tpu.memory_space<semaphore_mem>>)
      } else {
      }
      %ge3A = arith.constant 2 : i32
      %ge3A_168 = arith.cmpi sge, %scan3A_154, %ge3A : i32
      %convert_element_type3A_169 = arith.extui %ge3A_168 : i1 to i32
      %cond3A_170 = arith.constant 0 : i32
      %cond3A_171 = arith.cmpi ne, %convert_element_type3A_169, %cond3A_170 : i32
      scf.if %cond3A_171 {
        %dma_wait3A_311 = arith.constant 0 : i32
        %dma_wait3A_312 = arith.constant 0 : i32
        %dma_wait3A_313 = tpu.memref_slice %arg16[%select_n3A_163, %dma_wait3A_311, %dma_wait3A_312] : memref<2x80x128xf32, #tpu.memory_space<vmem>> -> memref<1x80x128xf32, #tpu.memory_space<vmem>>
        %dma_wait3A_314 = tpu.memref_squeeze %dma_wait3A_313 : memref<1x80x128xf32, #tpu.memory_space<vmem>> -> memref<80x128xf32, #tpu.memory_space<vmem>>
        %dma_wait3A_315 = arith.constant 0 : i32
        %dma_wait3A_316 = tpu.memref_slice %arg13[%select_n3A_163, %dma_wait3A_315] : memref<2x80xi32, #tpu.memory_space<vmem>> -> memref<1x80xi32, #tpu.memory_space<vmem>>
        %dma_wait3A_317 = tpu.memref_squeeze %dma_wait3A_316 : memref<1x80xi32, #tpu.memory_space<vmem>> -> memref<80xi32, #tpu.memory_space<vmem>>
        %dma_wait3A_318 = arith.constant 0 : i32
        %dma_wait3A_319 = arith.constant 0 : i32
        %dma_wait3A_320 = tpu.memref_slice %arg17[%dma_wait3A_318, %dma_wait3A_319] : memref<10000x128xf32, #tpu.memory_space<vmem_shared>> -> memref<10000x128xf32, #tpu.memory_space<vmem_shared>>
        %dma_wait3A_321 = tpu.memref_slice %arg22[%select_n3A_163] : memref<2x!tpu.dma_semaphore, #tpu.memory_space<semaphore_mem>> -> memref<1x!tpu.dma_semaphore, #tpu.memory_space<semaphore_mem>>
        %dma_wait3A_322 = tpu.memref_squeeze %dma_wait3A_321 : memref<1x!tpu.dma_semaphore, #tpu.memory_space<semaphore_mem>> -> memref<!tpu.dma_semaphore, #tpu.memory_space<semaphore_mem>>
        tpu.wait_indirect_dma semaphore(%dma_wait3A_322 : memref<!tpu.dma_semaphore, #tpu.memory_space<semaphore_mem>>) src(%dma_wait3A_314 : memref<80x128xf32, #tpu.memory_space<vmem>>) dst(%dma_wait3A_320 : memref<10000x128xf32, #tpu.memory_space<vmem_shared>>)
      } else {
      }
      %ge3A_172 = arith.constant 1 : i32
      %ge3A_173 = arith.cmpi sge, %scan3A_154, %ge3A_172 : i32
      %convert_element_type3A_174 = arith.extui %ge3A_173 : i1 to i32
      %cond3A_175 = arith.constant 0 : i32
      %cond3A_176 = arith.cmpi ne, %convert_element_type3A_174, %cond3A_175 : i32
      scf.if %cond3A_176 {
        %mul3A_311 = arith.constant 80 : i32
        %mul3A_312 = arith.muli %scan3A_154, %mul3A_311 : i32
        %add3A_313 = arith.addi %mul3A_4, %mul3A_312 : i32
        %dma_wait3A_314 = arith.constant 0 : i32
        %dma_wait3A_315 = tpu.memref_slice %arg9[%select_n3A_163, %dma_wait3A_314] : memref<2x80xi32, #tpu.memory_space<vmem>> -> memref<1x80xi32, #tpu.memory_space<vmem>>
        %dma_wait3A_316 = tpu.memref_squeeze %dma_wait3A_315 : memref<1x80xi32, #tpu.memory_space<vmem>> -> memref<80xi32, #tpu.memory_space<vmem>>
        %dma_wait3A_317 = tpu.memref_slice %arg2[%add3A_313] : memref<160000xi32, #tpu.memory_space<hbm>> -> memref<80xi32, #tpu.memory_space<hbm>>
        %dma_wait3A_318 = tpu.memref_slice %arg18[%select_n3A_163] : memref<2x!tpu.dma_semaphore, #tpu.memory_space<semaphore_mem>> -> memref<1x!tpu.dma_semaphore, #tpu.memory_space<semaphore_mem>>
        %dma_wait3A_319 = tpu.memref_squeeze %dma_wait3A_318 : memref<1x!tpu.dma_semaphore, #tpu.memory_space<semaphore_mem>> -> memref<!tpu.dma_semaphore, #tpu.memory_space<semaphore_mem>>
        %dma_wait3A_320 = arith.constant 0 : i32
        %dma_wait3A_321 = tpu.memref_slice %arg9[%select_n3A_163, %dma_wait3A_320] : memref<2x80xi32, #tpu.memory_space<vmem>> -> memref<1x80xi32, #tpu.memory_space<vmem>>
        %dma_wait3A_322 = tpu.memref_squeeze %dma_wait3A_321 : memref<1x80xi32, #tpu.memory_space<vmem>> -> memref<80xi32, #tpu.memory_space<vmem>>
        %dma_wait3A_323 = tpu.memref_slice %arg2[%add3A_313] : memref<160000xi32, #tpu.memory_space<hbm>> -> memref<80xi32, #tpu.memory_space<hbm>>
        tpu.wait_dma2 semaphore(%dma_wait3A_319 : memref<!tpu.dma_semaphore, #tpu.memory_space<semaphore_mem>>) src(%dma_wait3A_323 : memref<80xi32, #tpu.memory_space<hbm>>) dst(%dma_wait3A_322 : memref<80xi32, #tpu.memory_space<vmem>>)
        %dma_wait3A_324 = arith.constant 0 : i32
        %dma_wait3A_325 = tpu.memref_slice %arg10[%select_n3A_163, %dma_wait3A_324] : memref<2x80xi32, #tpu.memory_space<vmem>> -> memref<1x80xi32, #tpu.memory_space<vmem>>
        %dma_wait3A_326 = tpu.memref_squeeze %dma_wait3A_325 : memref<1x80xi32, #tpu.memory_space<vmem>> -> memref<80xi32, #tpu.memory_space<vmem>>
        %dma_wait3A_327 = tpu.memref_slice %arg3[%add3A_313] : memref<160000xi32, #tpu.memory_space<hbm>> -> memref<80xi32, #tpu.memory_space<hbm>>
        %dma_wait3A_328 = tpu.memref_slice %arg19[%select_n3A_163] : memref<2x!tpu.dma_semaphore, #tpu.memory_space<semaphore_mem>> -> memref<1x!tpu.dma_semaphore, #tpu.memory_space<semaphore_mem>>
        %dma_wait3A_329 = tpu.memref_squeeze %dma_wait3A_328 : memref<1x!tpu.dma_semaphore, #tpu.memory_space<semaphore_mem>> -> memref<!tpu.dma_semaphore, #tpu.memory_space<semaphore_mem>>
        %dma_wait3A_330 = arith.constant 0 : i32
        %dma_wait3A_331 = tpu.memref_slice %arg10[%select_n3A_163, %dma_wait3A_330] : memref<2x80xi32, #tpu.memory_space<vmem>> -> memref<1x80xi32, #tpu.memory_space<vmem>>
        %dma_wait3A_332 = tpu.memref_squeeze %dma_wait3A_331 : memref<1x80xi32, #tpu.memory_space<vmem>> -> memref<80xi32, #tpu.memory_space<vmem>>
        %dma_wait3A_333 = tpu.memref_slice %arg3[%add3A_313] : memref<160000xi32, #tpu.memory_space<hbm>> -> memref<80xi32, #tpu.memory_space<hbm>>
        tpu.wait_dma2 semaphore(%dma_wait3A_329 : memref<!tpu.dma_semaphore, #tpu.memory_space<semaphore_mem>>) src(%dma_wait3A_333 : memref<80xi32, #tpu.memory_space<hbm>>) dst(%dma_wait3A_332 : memref<80xi32, #tpu.memory_space<vmem>>)
        %dma_wait3A_334 = arith.constant 0 : i32
        %dma_wait3A_335 = tpu.memref_slice %arg11[%select_n3A_163, %dma_wait3A_334] : memref<2x80xf32, #tpu.memory_space<vmem>> -> memref<1x80xf32, #tpu.memory_space<vmem>>
        %dma_wait3A_336 = tpu.memref_squeeze %dma_wait3A_335 : memref<1x80xf32, #tpu.memory_space<vmem>> -> memref<80xf32, #tpu.memory_space<vmem>>
        %dma_wait3A_337 = tpu.memref_slice %arg4[%add3A_313] : memref<160000xf32, #tpu.memory_space<hbm>> -> memref<80xf32, #tpu.memory_space<hbm>>
        %dma_wait3A_338 = tpu.memref_slice %arg20[%select_n3A_163] : memref<2x!tpu.dma_semaphore, #tpu.memory_space<semaphore_mem>> -> memref<1x!tpu.dma_semaphore, #tpu.memory_space<semaphore_mem>>
        %dma_wait3A_339 = tpu.memref_squeeze %dma_wait3A_338 : memref<1x!tpu.dma_semaphore, #tpu.memory_space<semaphore_mem>> -> memref<!tpu.dma_semaphore, #tpu.memory_space<semaphore_mem>>
        %dma_wait3A_340 = arith.constant 0 : i32
        %dma_wait3A_341 = tpu.memref_slice %arg11[%select_n3A_163, %dma_wait3A_340] : memref<2x80xf32, #tpu.memory_space<vmem>> -> memref<1x80xf32, #tpu.memory_space<vmem>>
        %dma_wait3A_342 = tpu.memref_squeeze %dma_wait3A_341 : memref<1x80xf32, #tpu.memory_space<vmem>> -> memref<80xf32, #tpu.memory_space<vmem>>
        %dma_wait3A_343 = tpu.memref_slice %arg4[%add3A_313] : memref<160000xf32, #tpu.memory_space<hbm>> -> memref<80xf32, #tpu.memory_space<hbm>>
        tpu.wait_dma2 semaphore(%dma_wait3A_339 : memref<!tpu.dma_semaphore, #tpu.memory_space<semaphore_mem>>) src(%dma_wait3A_343 : memref<80xf32, #tpu.memory_space<hbm>>) dst(%dma_wait3A_342 : memref<80xf32, #tpu.memory_space<vmem>>)
      } else {
      }
      %get3A = arith.index_cast %select_n3A_163 : i32 to index
      %get3A_177 = arith.constant 0 : index
      %get3A_178 = tpu.vector_load %arg9[%get3A, %get3A_177] {strides = array<i32>} : memref<2x80xi32, #tpu.memory_space<vmem>>, vector<16xi32>,
      %get3A_179 = arith.index_cast %select_n3A_163 : i32 to index
      %get3A_180 = arith.constant 0 : index
      %get3A_181 = tpu.vector_load %arg10[%get3A_179, %get3A_180] {strides = array<i32>} : memref<2x80xi32, #tpu.memory_space<vmem>>, vector<16xi32>,
      %get3A_182 = arith.index_cast %select_n3A_163 : i32 to index
      %get3A_183 = arith.constant 0 : index
      %get3A_184 = tpu.vector_load %arg11[%get3A_182, %get3A_183] {strides = array<i32>} : memref<2x80xf32, #tpu.memory_space<vmem>>, vector<16xf32>,
      %gather3A = tpu.vector_load_idx %arg15[%get3A_178] : memref<10000xf32, #tpu.memory_space<vmem>>[vector<16xi32>], vector<16xf32>,
      %gather3A_185 = tpu.vector_load_idx %arg15[%get3A_181] : memref<10000xf32, #tpu.memory_space<vmem>>[vector<16xi32>], vector<16xf32>,
      %mul3A_186 = arith.mulf %gather3A, %get3A_184 : vector<16xf32>
      %mul3A_187 = arith.mulf %mul3A_186, %gather3A_185 : vector<16xf32>
      %swap3A = arith.index_cast %select_n3A_163 : i32 to index
      %swap3A_188 = arith.constant 0 : index
      %swap3A_189 = tpu.vector_load %arg14[%swap3A, %swap3A_188] {strides = array<i32>} : memref<2x80xf32, #tpu.memory_space<vmem>>, vector<16xf32>,
      tpu.vector_store %arg14[%swap3A, %swap3A_188], %mul3A_187 {strides = array<i32>} : memref<2x80xf32, #tpu.memory_space<vmem>>, vector<16xf32>,
      %add3A_190 = vector.broadcast %mul3A_6 : i32 to vector<16xi32>
      %add3A_191 = arith.addi %get3A_178, %add3A_190 : vector<16xi32>
      %swap3A_192 = arith.index_cast %select_n3A_163 : i32 to index
      %swap3A_193 = arith.constant 0 : index
      %swap3A_194 = tpu.vector_load %arg12[%swap3A_192, %swap3A_193] {strides = array<i32>} : memref<2x80xi32, #tpu.memory_space<vmem>>, vector<16xi32>,
      tpu.vector_store %arg12[%swap3A_192, %swap3A_193], %add3A_191 {strides = array<i32>} : memref<2x80xi32, #tpu.memory_space<vmem>>, vector<16xi32>,
      %swap3A_195 = arith.index_cast %select_n3A_163 : i32 to index
      %swap3A_196 = arith.constant 0 : index
      %swap3A_197 = tpu.vector_load %arg13[%swap3A_195, %swap3A_196] {strides = array<i32>} : memref<2x80xi32, #tpu.memory_space<vmem>>, vector<16xi32>,
      tpu.vector_store %arg13[%swap3A_195, %swap3A_196], %get3A_181 {strides = array<i32>} : memref<2x80xi32, #tpu.memory_space<vmem>>, vector<16xi32>,
      %get3A_198 = arith.index_cast %select_n3A_163 : i32 to index
      %get3A_199 = arith.constant 16 : index
      %get3A_200 = tpu.vector_load %arg9[%get3A_198, %get3A_199] {strides = array<i32>} : memref<2x80xi32, #tpu.memory_space<vmem>>, vector<16xi32>,
      %get3A_201 = arith.index_cast %select_n3A_163 : i32 to index
      %get3A_202 = arith.constant 16 : index
      %get3A_203 = tpu.vector_load %arg10[%get3A_201, %get3A_202] {strides = array<i32>} : memref<2x80xi32, #tpu.memory_space<vmem>>, vector<16xi32>,
      %get3A_204 = arith.index_cast %select_n3A_163 : i32 to index
      %get3A_205 = arith.constant 16 : index
      %get3A_206 = tpu.vector_load %arg11[%get3A_204, %get3A_205] {strides = array<i32>} : memref<2x80xf32, #tpu.memory_space<vmem>>, vector<16xf32>,
      %gather3A_207 = tpu.vector_load_idx %arg15[%get3A_200] : memref<10000xf32, #tpu.memory_space<vmem>>[vector<16xi32>], vector<16xf32>,
      %gather3A_208 = tpu.vector_load_idx %arg15[%get3A_203] : memref<10000xf32, #tpu.memory_space<vmem>>[vector<16xi32>], vector<16xf32>,
      %mul3A_209 = arith.mulf %gather3A_207, %get3A_206 : vector<16xf32>
      %mul3A_210 = arith.mulf %mul3A_209, %gather3A_208 : vector<16xf32>
      %swap3A_211 = arith.index_cast %select_n3A_163 : i32 to index
      %swap3A_212 = arith.constant 16 : index
      %swap3A_213 = tpu.vector_load %arg14[%swap3A_211, %swap3A_212] {strides = array<i32>} : memref<2x80xf32, #tpu.memory_space<vmem>>, vector<16xf32>,
      tpu.vector_store %arg14[%swap3A_211, %swap3A_212], %mul3A_210 {strides = array<i32>} : memref<2x80xf32, #tpu.memory_space<vmem>>, vector<16xf32>,
      %add3A_214 = vector.broadcast %mul3A_6 : i32 to vector<16xi32>
      %add3A_215 = arith.addi %get3A_200, %add3A_214 : vector<16xi32>
      %swap3A_216 = arith.index_cast %select_n3A_163 : i32 to index
      %swap3A_217 = arith.constant 16 : index
      %swap3A_218 = tpu.vector_load %arg12[%swap3A_216, %swap3A_217] {strides = array<i32>} : memref<2x80xi32, #tpu.memory_space<vmem>>, vector<16xi32>,
      tpu.vector_store %arg12[%swap3A_216, %swap3A_217], %add3A_215 {strides = array<i32>} : memref<2x80xi32, #tpu.memory_space<vmem>>, vector<16xi32>,
      %swap3A_219 = arith.index_cast %select_n3A_163 : i32 to index
      %swap3A_220 = arith.constant 16 : index
      %swap3A_221 = tpu.vector_load %arg13[%swap3A_219, %swap3A_220] {strides = array<i32>} : memref<2x80xi32, #tpu.memory_space<vmem>>, vector<16xi32>,
      tpu.vector_store %arg13[%swap3A_219, %swap3A_220], %get3A_203 {strides = array<i32>} : memref<2x80xi32, #tpu.memory_space<vmem>>, vector<16xi32>,
      %get3A_222 = arith.index_cast %select_n3A_163 : i32 to index
      %get3A_223 = arith.constant 32 : index
      %get3A_224 = tpu.vector_load %arg9[%get3A_222, %get3A_223] {strides = array<i32>} : memref<2x80xi32, #tpu.memory_space<vmem>>, vector<16xi32>,
      %get3A_225 = arith.index_cast %select_n3A_163 : i32 to index
      %get3A_226 = arith.constant 32 : index
      %get3A_227 = tpu.vector_load %arg10[%get3A_225, %get3A_226] {strides = array<i32>} : memref<2x80xi32, #tpu.memory_space<vmem>>, vector<16xi32>,
      %get3A_228 = arith.index_cast %select_n3A_163 : i32 to index
      %get3A_229 = arith.constant 32 : index
      %get3A_230 = tpu.vector_load %arg11[%get3A_228, %get3A_229] {strides = array<i32>} : memref<2x80xf32, #tpu.memory_space<vmem>>, vector<16xf32>,
      %gather3A_231 = tpu.vector_load_idx %arg15[%get3A_224] : memref<10000xf32, #tpu.memory_space<vmem>>[vector<16xi32>], vector<16xf32>,
      %gather3A_232 = tpu.vector_load_idx %arg15[%get3A_227] : memref<10000xf32, #tpu.memory_space<vmem>>[vector<16xi32>], vector<16xf32>,
      %mul3A_233 = arith.mulf %gather3A_231, %get3A_230 : vector<16xf32>
      %mul3A_234 = arith.mulf %mul3A_233, %gather3A_232 : vector<16xf32>
      %swap3A_235 = arith.index_cast %select_n3A_163 : i32 to index
      %swap3A_236 = arith.constant 32 : index
      %swap3A_237 = tpu.vector_load %arg14[%swap3A_235, %swap3A_236] {strides = array<i32>} : memref<2x80xf32, #tpu.memory_space<vmem>>, vector<16xf32>,
      tpu.vector_store %arg14[%swap3A_235, %swap3A_236], %mul3A_234 {strides = array<i32>} : memref<2x80xf32, #tpu.memory_space<vmem>>, vector<16xf32>,
      %add3A_238 = vector.broadcast %mul3A_6 : i32 to vector<16xi32>
      %add3A_239 = arith.addi %get3A_224, %add3A_238 : vector<16xi32>
      %swap3A_240 = arith.index_cast %select_n3A_163 : i32 to index
      %swap3A_241 = arith.constant 32 : index
      %swap3A_242 = tpu.vector_load %arg12[%swap3A_240, %swap3A_241] {strides = array<i32>} : memref<2x80xi32, #tpu.memory_space<vmem>>, vector<16xi32>,
      tpu.vector_store %arg12[%swap3A_240, %swap3A_241], %add3A_239 {strides = array<i32>} : memref<2x80xi32, #tpu.memory_space<vmem>>, vector<16xi32>,
      %swap3A_243 = arith.index_cast %select_n3A_163 : i32 to index
      %swap3A_244 = arith.constant 32 : index
      %swap3A_245 = tpu.vector_load %arg13[%swap3A_243, %swap3A_244] {strides = array<i32>} : memref<2x80xi32, #tpu.memory_space<vmem>>, vector<16xi32>,
      tpu.vector_store %arg13[%swap3A_243, %swap3A_244], %get3A_227 {strides = array<i32>} : memref<2x80xi32, #tpu.memory_space<vmem>>, vector<16xi32>,
      %get3A_246 = arith.index_cast %select_n3A_163 : i32 to index
      %get3A_247 = arith.constant 48 : index
      %get3A_248 = tpu.vector_load %arg9[%get3A_246, %get3A_247] {strides = array<i32>} : memref<2x80xi32, #tpu.memory_space<vmem>>, vector<16xi32>,
      %get3A_249 = arith.index_cast %select_n3A_163 : i32 to index
      %get3A_250 = arith.constant 48 : index
      %get3A_251 = tpu.vector_load %arg10[%get3A_249, %get3A_250] {strides = array<i32>} : memref<2x80xi32, #tpu.memory_space<vmem>>, vector<16xi32>,
      %get3A_252 = arith.index_cast %select_n3A_163 : i32 to index
      %get3A_253 = arith.constant 48 : index
      %get3A_254 = tpu.vector_load %arg11[%get3A_252, %get3A_253] {strides = array<i32>} : memref<2x80xf32, #tpu.memory_space<vmem>>, vector<16xf32>,
      %gather3A_255 = tpu.vector_load_idx %arg15[%get3A_248] : memref<10000xf32, #tpu.memory_space<vmem>>[vector<16xi32>], vector<16xf32>,
      %gather3A_256 = tpu.vector_load_idx %arg15[%get3A_251] : memref<10000xf32, #tpu.memory_space<vmem>>[vector<16xi32>], vector<16xf32>,
      %mul3A_257 = arith.mulf %gather3A_255, %get3A_254 : vector<16xf32>
      %mul3A_258 = arith.mulf %mul3A_257, %gather3A_256 : vector<16xf32>
      %swap3A_259 = arith.index_cast %select_n3A_163 : i32 to index
      %swap3A_260 = arith.constant 48 : index
      %swap3A_261 = tpu.vector_load %arg14[%swap3A_259, %swap3A_260] {strides = array<i32>} : memref<2x80xf32, #tpu.memory_space<vmem>>, vector<16xf32>,
      tpu.vector_store %arg14[%swap3A_259, %swap3A_260], %mul3A_258 {strides = array<i32>} : memref<2x80xf32, #tpu.memory_space<vmem>>, vector<16xf32>,
      %add3A_262 = vector.broadcast %mul3A_6 : i32 to vector<16xi32>
      %add3A_263 = arith.addi %get3A_248, %add3A_262 : vector<16xi32>
      %swap3A_264 = arith.index_cast %select_n3A_163 : i32 to index
      %swap3A_265 = arith.constant 48 : index
      %swap3A_266 = tpu.vector_load %arg12[%swap3A_264, %swap3A_265] {strides = array<i32>} : memref<2x80xi32, #tpu.memory_space<vmem>>, vector<16xi32>,
      tpu.vector_store %arg12[%swap3A_264, %swap3A_265], %add3A_263 {strides = array<i32>} : memref<2x80xi32, #tpu.memory_space<vmem>>, vector<16xi32>,
      %swap3A_267 = arith.index_cast %select_n3A_163 : i32 to index
      %swap3A_268 = arith.constant 48 : index
      %swap3A_269 = tpu.vector_load %arg13[%swap3A_267, %swap3A_268] {strides = array<i32>} : memref<2x80xi32, #tpu.memory_space<vmem>>, vector<16xi32>,
      tpu.vector_store %arg13[%swap3A_267, %swap3A_268], %get3A_251 {strides = array<i32>} : memref<2x80xi32, #tpu.memory_space<vmem>>, vector<16xi32>,
      %get3A_270 = arith.index_cast %select_n3A_163 : i32 to index
      %get3A_271 = arith.constant 64 : index
      %get3A_272 = tpu.vector_load %arg9[%get3A_270, %get3A_271] {strides = array<i32>} : memref<2x80xi32, #tpu.memory_space<vmem>>, vector<16xi32>,
      %get3A_273 = arith.index_cast %select_n3A_163 : i32 to index
      %get3A_274 = arith.constant 64 : index
      %get3A_275 = tpu.vector_load %arg10[%get3A_273, %get3A_274] {strides = array<i32>} : memref<2x80xi32, #tpu.memory_space<vmem>>, vector<16xi32>,
      %get3A_276 = arith.index_cast %select_n3A_163 : i32 to index
      %get3A_277 = arith.constant 64 : index
      %get3A_278 = tpu.vector_load %arg11[%get3A_276, %get3A_277] {strides = array<i32>} : memref<2x80xf32, #tpu.memory_space<vmem>>, vector<16xf32>,
      %gather3A_279 = tpu.vector_load_idx %arg15[%get3A_272] : memref<10000xf32, #tpu.memory_space<vmem>>[vector<16xi32>], vector<16xf32>,
      %gather3A_280 = tpu.vector_load_idx %arg15[%get3A_275] : memref<10000xf32, #tpu.memory_space<vmem>>[vector<16xi32>], vector<16xf32>,
      %mul3A_281 = arith.mulf %gather3A_279, %get3A_278 : vector<16xf32>
      %mul3A_282 = arith.mulf %mul3A_281, %gather3A_280 : vector<16xf32>
      %swap3A_283 = arith.index_cast %select_n3A_163 : i32 to index
      %swap3A_284 = arith.constant 64 : index
      %swap3A_285 = tpu.vector_load %arg14[%swap3A_283, %swap3A_284] {strides = array<i32>} : memref<2x80xf32, #tpu.memory_space<vmem>>, vector<16xf32>,
      tpu.vector_store %arg14[%swap3A_283, %swap3A_284], %mul3A_282 {strides = array<i32>} : memref<2x80xf32, #tpu.memory_space<vmem>>, vector<16xf32>,
      %add3A_286 = vector.broadcast %mul3A_6 : i32 to vector<16xi32>
      %add3A_287 = arith.addi %get3A_272, %add3A_286 : vector<16xi32>
      %swap3A_288 = arith.index_cast %select_n3A_163 : i32 to index
      %swap3A_289 = arith.constant 64 : index
      %swap3A_290 = tpu.vector_load %arg12[%swap3A_288, %swap3A_289] {strides = array<i32>} : memref<2x80xi32, #tpu.memory_space<vmem>>, vector<16xi32>,
      tpu.vector_store %arg12[%swap3A_288, %swap3A_289], %add3A_287 {strides = array<i32>} : memref<2x80xi32, #tpu.memory_space<vmem>>, vector<16xi32>,
      %swap3A_291 = arith.index_cast %select_n3A_163 : i32 to index
      %swap3A_292 = arith.constant 64 : index
      %swap3A_293 = tpu.vector_load %arg13[%swap3A_291, %swap3A_292] {strides = array<i32>} : memref<2x80xi32, #tpu.memory_space<vmem>>, vector<16xi32>,
      tpu.vector_store %arg13[%swap3A_291, %swap3A_292], %get3A_275 {strides = array<i32>} : memref<2x80xi32, #tpu.memory_space<vmem>>, vector<16xi32>,
      %dma_start3A_294 = arith.constant 0 : i32
      %dma_start3A_295 = arith.constant 0 : i32
      %dma_start3A_296 = tpu.memref_slice %arg16[%select_n3A_163, %dma_start3A_294, %dma_start3A_295] : memref<2x80x128xf32, #tpu.memory_space<vmem>> -> memref<1x80x128xf32, #tpu.memory_space<vmem>>
      %dma_start3A_297 = tpu.memref_squeeze %dma_start3A_296 : memref<1x80x128xf32, #tpu.memory_space<vmem>> -> memref<80x128xf32, #tpu.memory_space<vmem>>
      %dma_start3A_298 = arith.constant 0 : i32
      %dma_start3A_299 = tpu.memref_slice %arg12[%select_n3A_163, %dma_start3A_298] : memref<2x80xi32, #tpu.memory_space<vmem>> -> memref<1x80xi32, #tpu.memory_space<vmem>>
      %dma_start3A_300 = tpu.memref_squeeze %dma_start3A_299 : memref<1x80xi32, #tpu.memory_space<vmem>> -> memref<80xi32, #tpu.memory_space<vmem>>
      %dma_start3A_301 = arith.constant 0 : i32
      %dma_start3A_302 = arith.constant 0 : i32
      %dma_start3A_303 = tpu.memref_slice %arg6[%dma_start3A_301, %dma_start3A_302] : memref<20000x128xf32, #tpu.memory_space<hbm>> -> memref<20000x128xf32, #tpu.memory_space<hbm>>
      %dma_start3A_304 = tpu.memref_slice %arg21[%select_n3A_163] : memref<2x!tpu.dma_semaphore, #tpu.memory_space<semaphore_mem>> -> memref<1x!tpu.dma_semaphore, #tpu.memory_space<semaphore_mem>>
      %dma_start3A_305 = tpu.memref_squeeze %dma_start3A_304 : memref<1x!tpu.dma_semaphore, #tpu.memory_space<semaphore_mem>> -> memref<!tpu.dma_semaphore, #tpu.memory_space<semaphore_mem>>
      tpu.enqueue_indirect_dma source(%dma_start3A_303 : memref<20000x128xf32, #tpu.memory_space<hbm>>) target(%dma_start3A_297 : memref<80x128xf32, #tpu.memory_space<vmem>>) offsets(%dma_start3A_300 : memref<80xi32, #tpu.memory_space<vmem>>) semaphore(%dma_start3A_305 : memref<!tpu.dma_semaphore, #tpu.memory_space<semaphore_mem>>)
      %ge3A_306 = arith.constant 1 : i32
      %ge3A_307 = arith.cmpi sge, %scan3A_154, %ge3A_306 : i32
      %convert_element_type3A_308 = arith.extui %ge3A_307 : i1 to i32
      %cond3A_309 = arith.constant 0 : i32
      %cond3A_310 = arith.cmpi ne, %convert_element_type3A_308, %cond3A_309 : i32
      scf.if %cond3A_310 {
        %dma_wait3A_311 = arith.constant 0 : i32
        %dma_wait3A_312 = arith.constant 0 : i32
        %dma_wait3A_313 = tpu.memref_slice %arg16[%sub3A_164, %dma_wait3A_311, %dma_wait3A_312] : memref<2x80x128xf32, #tpu.memory_space<vmem>> -> memref<1x80x128xf32, #tpu.memory_space<vmem>>
        %dma_wait3A_314 = tpu.memref_squeeze %dma_wait3A_313 : memref<1x80x128xf32, #tpu.memory_space<vmem>> -> memref<80x128xf32, #tpu.memory_space<vmem>>
        %dma_wait3A_315 = arith.constant 0 : i32
        %dma_wait3A_316 = tpu.memref_slice %arg12[%sub3A_164, %dma_wait3A_315] : memref<2x80xi32, #tpu.memory_space<vmem>> -> memref<1x80xi32, #tpu.memory_space<vmem>>
        %dma_wait3A_317 = tpu.memref_squeeze %dma_wait3A_316 : memref<1x80xi32, #tpu.memory_space<vmem>> -> memref<80xi32, #tpu.memory_space<vmem>>
        %dma_wait3A_318 = arith.constant 0 : i32
        %dma_wait3A_319 = arith.constant 0 : i32
        %dma_wait3A_320 = tpu.memref_slice %arg6[%dma_wait3A_318, %dma_wait3A_319] : memref<20000x128xf32, #tpu.memory_space<hbm>> -> memref<20000x128xf32, #tpu.memory_space<hbm>>
        %dma_wait3A_321 = tpu.memref_slice %arg21[%sub3A_164] : memref<2x!tpu.dma_semaphore, #tpu.memory_space<semaphore_mem>> -> memref<1x!tpu.dma_semaphore, #tpu.memory_space<semaphore_mem>>
        %dma_wait3A_322 = tpu.memref_squeeze %dma_wait3A_321 : memref<1x!tpu.dma_semaphore, #tpu.memory_space<semaphore_mem>> -> memref<!tpu.dma_semaphore, #tpu.memory_space<semaphore_mem>>
        tpu.wait_indirect_dma semaphore(%dma_wait3A_322 : memref<!tpu.dma_semaphore, #tpu.memory_space<semaphore_mem>>) src(%dma_wait3A_320 : memref<20000x128xf32, #tpu.memory_space<hbm>>) dst(%dma_wait3A_314 : memref<80x128xf32, #tpu.memory_space<vmem>>)
        %parallel_loop3A_323 = arith.constant 0 : i32
        %parallel_loop3A_324 = arith.constant 80 : i32
        %parallel_loop3A_325 = arith.constant 1 : i32
        scf.for %parallel_loop3A_338 = %parallel_loop3A_323 to %parallel_loop3A_324 step %parallel_loop3A_325  : i32 {
          %parallel_loop3A_339 = vector.broadcast %parallel_loop3A_338 : i32 to vector<16xi32>
          %parallel_loop3A_340 = arith.constant 0 : i32
          %parallel_loop3A_341 = tpu.memref_slice %arg14[%sub3A_164, %parallel_loop3A_340] : memref<2x80xf32, #tpu.memory_space<vmem>> -> memref<1x80xf32, #tpu.memory_space<vmem>>
          %parallel_loop3A_342 = tpu.memref_squeeze %parallel_loop3A_341 : memref<1x80xf32, #tpu.memory_space<vmem>> -> memref<80xf32, #tpu.memory_space<vmem>>
          %parallel_loop3A_343 = tpu.vector_load_idx %parallel_loop3A_342[%parallel_loop3A_339] : memref<80xf32, #tpu.memory_space<vmem>>[vector<16xi32>], vector<16xf32>,
          %parallel_loop3A_344 = arith.index_cast %sub3A_164 : i32 to index
          %parallel_loop3A_345 = arith.index_cast %parallel_loop3A_338 : i32 to index
          %parallel_loop3A_346 = arith.constant 0 : index
          %parallel_loop3A_347 = tpu.vector_load %arg16[%parallel_loop3A_344, %parallel_loop3A_345, %parallel_loop3A_346] {strides = array<i32>} : memref<2x80x128xf32, #tpu.memory_space<vmem>>, vector<16xf32>,
          %parallel_loop3A_348 = arith.mulf %parallel_loop3A_347, %parallel_loop3A_343 : vector<16xf32>
          %parallel_loop3A_349 = arith.index_cast %sub3A_164 : i32 to index
          %parallel_loop3A_350 = arith.index_cast %parallel_loop3A_338 : i32 to index
          %parallel_loop3A_351 = arith.constant 0 : index
          %parallel_loop3A_352 = tpu.vector_load %arg16[%parallel_loop3A_349, %parallel_loop3A_350, %parallel_loop3A_351] {strides = array<i32>} : memref<2x80x128xf32, #tpu.memory_space<vmem>>, vector<16xf32>,
          tpu.vector_store %arg16[%parallel_loop3A_349, %parallel_loop3A_350, %parallel_loop3A_351], %parallel_loop3A_348 {strides = array<i32>} : memref<2x80x128xf32, #tpu.memory_space<vmem>>, vector<16xf32>,
          %parallel_loop3A_353 = arith.index_cast %sub3A_164 : i32 to index
          %parallel_loop3A_354 = arith.index_cast %parallel_loop3A_338 : i32 to index
          %parallel_loop3A_355 = arith.constant 16 : index
          %parallel_loop3A_356 = tpu.vector_load %arg16[%parallel_loop3A_353, %parallel_loop3A_354, %parallel_loop3A_355] {strides = array<i32>} : memref<2x80x128xf32, #tpu.memory_space<vmem>>, vector<16xf32>,
          %parallel_loop3A_357 = arith.mulf %parallel_loop3A_356, %parallel_loop3A_343 : vector<16xf32>
          %parallel_loop3A_358 = arith.index_cast %sub3A_164 : i32 to index
          %parallel_loop3A_359 = arith.index_cast %parallel_loop3A_338 : i32 to index
          %parallel_loop3A_360 = arith.constant 16 : index
          %parallel_loop3A_361 = tpu.vector_load %arg16[%parallel_loop3A_358, %parallel_loop3A_359, %parallel_loop3A_360] {strides = array<i32>} : memref<2x80x128xf32, #tpu.memory_space<vmem>>, vector<16xf32>,
          tpu.vector_store %arg16[%parallel_loop3A_358, %parallel_loop3A_359, %parallel_loop3A_360], %parallel_loop3A_357 {strides = array<i32>} : memref<2x80x128xf32, #tpu.memory_space<vmem>>, vector<16xf32>,
          %parallel_loop3A_362 = arith.index_cast %sub3A_164 : i32 to index
          %parallel_loop3A_363 = arith.index_cast %parallel_loop3A_338 : i32 to index
          %parallel_loop3A_364 = arith.constant 32 : index
          %parallel_loop3A_365 = tpu.vector_load %arg16[%parallel_loop3A_362, %parallel_loop3A_363, %parallel_loop3A_364] {strides = array<i32>} : memref<2x80x128xf32, #tpu.memory_space<vmem>>, vector<16xf32>,
          %parallel_loop3A_366 = arith.mulf %parallel_loop3A_365, %parallel_loop3A_343 : vector<16xf32>
          %parallel_loop3A_367 = arith.index_cast %sub3A_164 : i32 to index
          %parallel_loop3A_368 = arith.index_cast %parallel_loop3A_338 : i32 to index
          %parallel_loop3A_369 = arith.constant 32 : index
          %parallel_loop3A_370 = tpu.vector_load %arg16[%parallel_loop3A_367, %parallel_loop3A_368, %parallel_loop3A_369] {strides = array<i32>} : memref<2x80x128xf32, #tpu.memory_space<vmem>>, vector<16xf32>,
          tpu.vector_store %arg16[%parallel_loop3A_367, %parallel_loop3A_368, %parallel_loop3A_369], %parallel_loop3A_366 {strides = array<i32>} : memref<2x80x128xf32, #tpu.memory_space<vmem>>, vector<16xf32>,
          %parallel_loop3A_371 = arith.index_cast %sub3A_164 : i32 to index
          %parallel_loop3A_372 = arith.index_cast %parallel_loop3A_338 : i32 to index
          %parallel_loop3A_373 = arith.constant 48 : index
          %parallel_loop3A_374 = tpu.vector_load %arg16[%parallel_loop3A_371, %parallel_loop3A_372, %parallel_loop3A_373] {strides = array<i32>} : memref<2x80x128xf32, #tpu.memory_space<vmem>>, vector<16xf32>,
          %parallel_loop3A_375 = arith.mulf %parallel_loop3A_374, %parallel_loop3A_343 : vector<16xf32>
          %parallel_loop3A_376 = arith.index_cast %sub3A_164 : i32 to index
          %parallel_loop3A_377 = arith.index_cast %parallel_loop3A_338 : i32 to index
          %parallel_loop3A_378 = arith.constant 48 : index
          %parallel_loop3A_379 = tpu.vector_load %arg16[%parallel_loop3A_376, %parallel_loop3A_377, %parallel_loop3A_378] {strides = array<i32>} : memref<2x80x128xf32, #tpu.memory_space<vmem>>, vector<16xf32>,
          tpu.vector_store %arg16[%parallel_loop3A_376, %parallel_loop3A_377, %parallel_loop3A_378], %parallel_loop3A_375 {strides = array<i32>} : memref<2x80x128xf32, #tpu.memory_space<vmem>>, vector<16xf32>,
          %parallel_loop3A_380 = arith.index_cast %sub3A_164 : i32 to index
          %parallel_loop3A_381 = arith.index_cast %parallel_loop3A_338 : i32 to index
          %parallel_loop3A_382 = arith.constant 64 : index
          %parallel_loop3A_383 = tpu.vector_load %arg16[%parallel_loop3A_380, %parallel_loop3A_381, %parallel_loop3A_382] {strides = array<i32>} : memref<2x80x128xf32, #tpu.memory_space<vmem>>, vector<16xf32>,
          %parallel_loop3A_384 = arith.mulf %parallel_loop3A_383, %parallel_loop3A_343 : vector<16xf32>
          %parallel_loop3A_385 = arith.index_cast %sub3A_164 : i32 to index
          %parallel_loop3A_386 = arith.index_cast %parallel_loop3A_338 : i32 to index
          %parallel_loop3A_387 = arith.constant 64 : index
          %parallel_loop3A_388 = tpu.vector_load %arg16[%parallel_loop3A_385, %parallel_loop3A_386, %parallel_loop3A_387] {strides = array<i32>} : memref<2x80x128xf32, #tpu.memory_space<vmem>>, vector<16xf32>,
          tpu.vector_store %arg16[%parallel_loop3A_385, %parallel_loop3A_386, %parallel_loop3A_387], %parallel_loop3A_384 {strides = array<i32>} : memref<2x80x128xf32, #tpu.memory_space<vmem>>, vector<16xf32>,
          %parallel_loop3A_389 = arith.index_cast %sub3A_164 : i32 to index
          %parallel_loop3A_390 = arith.index_cast %parallel_loop3A_338 : i32 to index
          %parallel_loop3A_391 = arith.constant 80 : index
          %parallel_loop3A_392 = tpu.vector_load %arg16[%parallel_loop3A_389, %parallel_loop3A_390, %parallel_loop3A_391] {strides = array<i32>} : memref<2x80x128xf32, #tpu.memory_space<vmem>>, vector<16xf32>,
          %parallel_loop3A_393 = arith.mulf %parallel_loop3A_392, %parallel_loop3A_343 : vector<16xf32>
          %parallel_loop3A_394 = arith.index_cast %sub3A_164 : i32 to index
          %parallel_loop3A_395 = arith.index_cast %parallel_loop3A_338 : i32 to index
          %parallel_loop3A_396 = arith.constant 80 : index
          %parallel_loop3A_397 = tpu.vector_load %arg16[%parallel_loop3A_394, %parallel_loop3A_395, %parallel_loop3A_396] {strides = array<i32>} : memref<2x80x128xf32, #tpu.memory_space<vmem>>, vector<16xf32>,
          tpu.vector_store %arg16[%parallel_loop3A_394, %parallel_loop3A_395, %parallel_loop3A_396], %parallel_loop3A_393 {strides = array<i32>} : memref<2x80x128xf32, #tpu.memory_space<vmem>>, vector<16xf32>,
          %parallel_loop3A_398 = arith.index_cast %sub3A_164 : i32 to index
          %parallel_loop3A_399 = arith.index_cast %parallel_loop3A_338 : i32 to index
          %parallel_loop3A_400 = arith.constant 96 : index
          %parallel_loop3A_401 = tpu.vector_load %arg16[%parallel_loop3A_398, %parallel_loop3A_399, %parallel_loop3A_400] {strides = array<i32>} : memref<2x80x128xf32, #tpu.memory_space<vmem>>, vector<16xf32>,
          %parallel_loop3A_402 = arith.mulf %parallel_loop3A_401, %parallel_loop3A_343 : vector<16xf32>
          %parallel_loop3A_403 = arith.index_cast %sub3A_164 : i32 to index
          %parallel_loop3A_404 = arith.index_cast %parallel_loop3A_338 : i32 to index
          %parallel_loop3A_405 = arith.constant 96 : index
          %parallel_loop3A_406 = tpu.vector_load %arg16[%parallel_loop3A_403, %parallel_loop3A_404, %parallel_loop3A_405] {strides = array<i32>} : memref<2x80x128xf32, #tpu.memory_space<vmem>>, vector<16xf32>,
          tpu.vector_store %arg16[%parallel_loop3A_403, %parallel_loop3A_404, %parallel_loop3A_405], %parallel_loop3A_402 {strides = array<i32>} : memref<2x80x128xf32, #tpu.memory_space<vmem>>, vector<16xf32>,
          %parallel_loop3A_407 = arith.index_cast %sub3A_164 : i32 to index
          %parallel_loop3A_408 = arith.index_cast %parallel_loop3A_338 : i32 to index
          %parallel_loop3A_409 = arith.constant 112 : index
          %parallel_loop3A_410 = tpu.vector_load %arg16[%parallel_loop3A_407, %parallel_loop3A_408, %parallel_loop3A_409] {strides = array<i32>} : memref<2x80x128xf32, #tpu.memory_space<vmem>>, vector<16xf32>,
          %parallel_loop3A_411 = arith.mulf %parallel_loop3A_410, %parallel_loop3A_343 : vector<16xf32>
          %parallel_loop3A_412 = arith.index_cast %sub3A_164 : i32 to index
          %parallel_loop3A_413 = arith.index_cast %parallel_loop3A_338 : i32 to index
          %parallel_loop3A_414 = arith.constant 112 : index
          %parallel_loop3A_415 = tpu.vector_load %arg16[%parallel_loop3A_412, %parallel_loop3A_413, %parallel_loop3A_414] {strides = array<i32>} : memref<2x80x128xf32, #tpu.memory_space<vmem>>, vector<16xf32>,
          tpu.vector_store %arg16[%parallel_loop3A_412, %parallel_loop3A_413, %parallel_loop3A_414], %parallel_loop3A_411 {strides = array<i32>} : memref<2x80x128xf32, #tpu.memory_space<vmem>>, vector<16xf32>,
        } {sc.loop_unroll_factor = 4 : i64, sc.parallel_access}
        %dma_start3A_326 = arith.constant 0 : i32
        %dma_start3A_327 = arith.constant 0 : i32
        %dma_start3A_328 = tpu.memref_slice %arg16[%sub3A_164, %dma_start3A_326, %dma_start3A_327] : memref<2x80x128xf32, #tpu.memory_space<vmem>> -> memref<1x80x128xf32, #tpu.memory_space<vmem>>
        %dma_start3A_329 = tpu.memref_squeeze %dma_start3A_328 : memref<1x80x128xf32, #tpu.memory_space<vmem>> -> memref<80x128xf32, #tpu.memory_space<vmem>>
        %dma_start3A_330 = arith.constant 0 : i32
        %dma_start3A_331 = tpu.memref_slice %arg13[%sub3A_164, %dma_start3A_330] : memref<2x80xi32, #tpu.memory_space<vmem>> -> memref<1x80xi32, #tpu.memory_space<vmem>>
        %dma_start3A_332 = tpu.memref_squeeze %dma_start3A_331 : memref<1x80xi32, #tpu.memory_space<vmem>> -> memref<80xi32, #tpu.memory_space<vmem>>
        %dma_start3A_333 = arith.constant 0 : i32
        %dma_start3A_334 = arith.constant 0 : i32
        %dma_start3A_335 = tpu.memref_slice %arg17[%dma_start3A_333, %dma_start3A_334] : memref<10000x128xf32, #tpu.memory_space<vmem_shared>> -> memref<10000x128xf32, #tpu.memory_space<vmem_shared>>
        %dma_start3A_336 = tpu.memref_slice %arg22[%sub3A_164] : memref<2x!tpu.dma_semaphore, #tpu.memory_space<semaphore_mem>> -> memref<1x!tpu.dma_semaphore, #tpu.memory_space<semaphore_mem>>
        %dma_start3A_337 = tpu.memref_squeeze %dma_start3A_336 : memref<1x!tpu.dma_semaphore, #tpu.memory_space<semaphore_mem>> -> memref<!tpu.dma_semaphore, #tpu.memory_space<semaphore_mem>>
        tpu.enqueue_indirect_dma source(%dma_start3A_329 : memref<80x128xf32, #tpu.memory_space<vmem>>) target(%dma_start3A_335 : memref<10000x128xf32, #tpu.memory_space<vmem_shared>>) offsets(%dma_start3A_332 : memref<80xi32, #tpu.memory_space<vmem>>) semaphore(%dma_start3A_337 : memref<!tpu.dma_semaphore, #tpu.memory_space<semaphore_mem>>) {add = true}
      } else {
      }
    }
    %scan3A_84 = arith.constant 125 : i32
    %dma_wait3A_85 = arith.constant 0 : i32
    %dma_wait3A_86 = arith.constant 0 : i32
    %dma_wait3A_87 = arith.constant 0 : i32
    %dma_wait3A_88 = arith.constant 0 : i32
    %dma_wait3A_89 = arith.constant 0 : i32
    %dma_wait3A_90 = tpu.memref_slice %arg16[%dma_wait3A_86, %dma_wait3A_88, %dma_wait3A_89] : memref<2x80x128xf32, #tpu.memory_space<vmem>> -> memref<1x80x128xf32, #tpu.memory_space<vmem>>
    %dma_wait3A_91 = tpu.memref_squeeze %dma_wait3A_90 : memref<1x80x128xf32, #tpu.memory_space<vmem>> -> memref<80x128xf32, #tpu.memory_space<vmem>>
    %dma_wait3A_92 = arith.constant 0 : i32
    %dma_wait3A_93 = tpu.memref_slice %arg12[%dma_wait3A_85, %dma_wait3A_92] : memref<2x80xi32, #tpu.memory_space<vmem>> -> memref<1x80xi32, #tpu.memory_space<vmem>>
    %dma_wait3A_94 = tpu.memref_squeeze %dma_wait3A_93 : memref<1x80xi32, #tpu.memory_space<vmem>> -> memref<80xi32, #tpu.memory_space<vmem>>
    %dma_wait3A_95 = arith.constant 0 : i32
    %dma_wait3A_96 = arith.constant 0 : i32
    %dma_wait3A_97 = tpu.memref_slice %arg6[%dma_wait3A_95, %dma_wait3A_96] : memref<20000x128xf32, #tpu.memory_space<hbm>> -> memref<20000x128xf32, #tpu.memory_space<hbm>>
    %dma_wait3A_98 = tpu.memref_slice %arg21[%dma_wait3A_87] : memref<2x!tpu.dma_semaphore, #tpu.memory_space<semaphore_mem>> -> memref<1x!tpu.dma_semaphore, #tpu.memory_space<semaphore_mem>>
    %dma_wait3A_99 = tpu.memref_squeeze %dma_wait3A_98 : memref<1x!tpu.dma_semaphore, #tpu.memory_space<semaphore_mem>> -> memref<!tpu.dma_semaphore, #tpu.memory_space<semaphore_mem>>
    tpu.wait_indirect_dma semaphore(%dma_wait3A_99 : memref<!tpu.dma_semaphore, #tpu.memory_space<semaphore_mem>>) src(%dma_wait3A_97 : memref<20000x128xf32, #tpu.memory_space<hbm>>) dst(%dma_wait3A_91 : memref<80x128xf32, #tpu.memory_space<vmem>>)
    %parallel_loop3A = arith.constant 0 : i32
    %parallel_loop3A_100 = arith.constant 80 : i32
    %parallel_loop3A_101 = arith.constant 1 : i32
    scf.for %parallel_loop3A_154 = %parallel_loop3A to %parallel_loop3A_100 step %parallel_loop3A_101  : i32 {
      %parallel_loop3A_155 = vector.broadcast %parallel_loop3A_154 : i32 to vector<16xi32>
      %parallel_loop3A_156 = arith.constant 0 : i32
      %parallel_loop3A_157 = arith.constant 0 : i32
      %parallel_loop3A_158 = tpu.memref_slice %arg14[%parallel_loop3A_156, %parallel_loop3A_157] : memref<2x80xf32, #tpu.memory_space<vmem>> -> memref<1x80xf32, #tpu.memory_space<vmem>>
      %parallel_loop3A_159 = tpu.memref_squeeze %parallel_loop3A_158 : memref<1x80xf32, #tpu.memory_space<vmem>> -> memref<80xf32, #tpu.memory_space<vmem>>
      %parallel_loop3A_160 = tpu.vector_load_idx %parallel_loop3A_159[%parallel_loop3A_155] : memref<80xf32, #tpu.memory_space<vmem>>[vector<16xi32>], vector<16xf32>,
      %parallel_loop3A_161 = arith.constant 0 : i32
      %parallel_loop3A_162 = arith.index_cast %parallel_loop3A_161 : i32 to index
      %parallel_loop3A_163 = arith.index_cast %parallel_loop3A_154 : i32 to index
      %parallel_loop3A_164 = arith.constant 0 : index
      %parallel_loop3A_165 = tpu.vector_load %arg16[%parallel_loop3A_162, %parallel_loop3A_163, %parallel_loop3A_164] {strides = array<i32>} : memref<2x80x128xf32, #tpu.memory_space<vmem>>, vector<16xf32>,
      %parallel_loop3A_166 = arith.mulf %parallel_loop3A_165, %parallel_loop3A_160 : vector<16xf32>
      %parallel_loop3A_167 = arith.constant 0 : i32
      %parallel_loop3A_168 = arith.index_cast %parallel_loop3A_167 : i32 to index
      %parallel_loop3A_169 = arith.index_cast %parallel_loop3A_154 : i32 to index
      %parallel_loop3A_170 = arith.constant 0 : index
      %parallel_loop3A_171 = tpu.vector_load %arg16[%parallel_loop3A_168, %parallel_loop3A_169, %parallel_loop3A_170] {strides = array<i32>} : memref<2x80x128xf32, #tpu.memory_space<vmem>>, vector<16xf32>,
      tpu.vector_store %arg16[%parallel_loop3A_168, %parallel_loop3A_169, %parallel_loop3A_170], %parallel_loop3A_166 {strides = array<i32>} : memref<2x80x128xf32, #tpu.memory_space<vmem>>, vector<16xf32>,
      %parallel_loop3A_172 = arith.constant 0 : i32
      %parallel_loop3A_173 = arith.index_cast %parallel_loop3A_172 : i32 to index
      %parallel_loop3A_174 = arith.index_cast %parallel_loop3A_154 : i32 to index
      %parallel_loop3A_175 = arith.constant 16 : index
      %parallel_loop3A_176 = tpu.vector_load %arg16[%parallel_loop3A_173, %parallel_loop3A_174, %parallel_loop3A_175] {strides = array<i32>} : memref<2x80x128xf32, #tpu.memory_space<vmem>>, vector<16xf32>,
      %parallel_loop3A_177 = arith.mulf %parallel_loop3A_176, %parallel_loop3A_160 : vector<16xf32>
      %parallel_loop3A_178 = arith.constant 0 : i32
      %parallel_loop3A_179 = arith.index_cast %parallel_loop3A_178 : i32 to index
      %parallel_loop3A_180 = arith.index_cast %parallel_loop3A_154 : i32 to index
      %parallel_loop3A_181 = arith.constant 16 : index
      %parallel_loop3A_182 = tpu.vector_load %arg16[%parallel_loop3A_179, %parallel_loop3A_180, %parallel_loop3A_181] {strides = array<i32>} : memref<2x80x128xf32, #tpu.memory_space<vmem>>, vector<16xf32>,
      tpu.vector_store %arg16[%parallel_loop3A_179, %parallel_loop3A_180, %parallel_loop3A_181], %parallel_loop3A_177 {strides = array<i32>} : memref<2x80x128xf32, #tpu.memory_space<vmem>>, vector<16xf32>,
      %parallel_loop3A_183 = arith.constant 0 : i32
      %parallel_loop3A_184 = arith.index_cast %parallel_loop3A_183 : i32 to index
      %parallel_loop3A_185 = arith.index_cast %parallel_loop3A_154 : i32 to index
      %parallel_loop3A_186 = arith.constant 32 : index
      %parallel_loop3A_187 = tpu.vector_load %arg16[%parallel_loop3A_184, %parallel_loop3A_185, %parallel_loop3A_186] {strides = array<i32>} : memref<2x80x128xf32, #tpu.memory_space<vmem>>, vector<16xf32>,
      %parallel_loop3A_188 = arith.mulf %parallel_loop3A_187, %parallel_loop3A_160 : vector<16xf32>
      %parallel_loop3A_189 = arith.constant 0 : i32
      %parallel_loop3A_190 = arith.index_cast %parallel_loop3A_189 : i32 to index
      %parallel_loop3A_191 = arith.index_cast %parallel_loop3A_154 : i32 to index
      %parallel_loop3A_192 = arith.constant 32 : index
      %parallel_loop3A_193 = tpu.vector_load %arg16[%parallel_loop3A_190, %parallel_loop3A_191, %parallel_loop3A_192] {strides = array<i32>} : memref<2x80x128xf32, #tpu.memory_space<vmem>>, vector<16xf32>,
      tpu.vector_store %arg16[%parallel_loop3A_190, %parallel_loop3A_191, %parallel_loop3A_192], %parallel_loop3A_188 {strides = array<i32>} : memref<2x80x128xf32, #tpu.memory_space<vmem>>, vector<16xf32>,
      %parallel_loop3A_194 = arith.constant 0 : i32
      %parallel_loop3A_195 = arith.index_cast %parallel_loop3A_194 : i32 to index
      %parallel_loop3A_196 = arith.index_cast %parallel_loop3A_154 : i32 to index
      %parallel_loop3A_197 = arith.constant 48 : index
      %parallel_loop3A_198 = tpu.vector_load %arg16[%parallel_loop3A_195, %parallel_loop3A_196, %parallel_loop3A_197] {strides = array<i32>} : memref<2x80x128xf32, #tpu.memory_space<vmem>>, vector<16xf32>,
      %parallel_loop3A_199 = arith.mulf %parallel_loop3A_198, %parallel_loop3A_160 : vector<16xf32>
      %parallel_loop3A_200 = arith.constant 0 : i32
      %parallel_loop3A_201 = arith.index_cast %parallel_loop3A_200 : i32 to index
      %parallel_loop3A_202 = arith.index_cast %parallel_loop3A_154 : i32 to index
      %parallel_loop3A_203 = arith.constant 48 : index
      %parallel_loop3A_204 = tpu.vector_load %arg16[%parallel_loop3A_201, %parallel_loop3A_202, %parallel_loop3A_203] {strides = array<i32>} : memref<2x80x128xf32, #tpu.memory_space<vmem>>, vector<16xf32>,
      tpu.vector_store %arg16[%parallel_loop3A_201, %parallel_loop3A_202, %parallel_loop3A_203], %parallel_loop3A_199 {strides = array<i32>} : memref<2x80x128xf32, #tpu.memory_space<vmem>>, vector<16xf32>,
      %parallel_loop3A_205 = arith.constant 0 : i32
      %parallel_loop3A_206 = arith.index_cast %parallel_loop3A_205 : i32 to index
      %parallel_loop3A_207 = arith.index_cast %parallel_loop3A_154 : i32 to index
      %parallel_loop3A_208 = arith.constant 64 : index
      %parallel_loop3A_209 = tpu.vector_load %arg16[%parallel_loop3A_206, %parallel_loop3A_207, %parallel_loop3A_208] {strides = array<i32>} : memref<2x80x128xf32, #tpu.memory_space<vmem>>, vector<16xf32>,
      %parallel_loop3A_210 = arith.mulf %parallel_loop3A_209, %parallel_loop3A_160 : vector<16xf32>
      %parallel_loop3A_211 = arith.constant 0 : i32
      %parallel_loop3A_212 = arith.index_cast %parallel_loop3A_211 : i32 to index
      %parallel_loop3A_213 = arith.index_cast %parallel_loop3A_154 : i32 to index
      %parallel_loop3A_214 = arith.constant 64 : index
      %parallel_loop3A_215 = tpu.vector_load %arg16[%parallel_loop3A_212, %parallel_loop3A_213, %parallel_loop3A_214] {strides = array<i32>} : memref<2x80x128xf32, #tpu.memory_space<vmem>>, vector<16xf32>,
      tpu.vector_store %arg16[%parallel_loop3A_212, %parallel_loop3A_213, %parallel_loop3A_214], %parallel_loop3A_210 {strides = array<i32>} : memref<2x80x128xf32, #tpu.memory_space<vmem>>, vector<16xf32>,
      %parallel_loop3A_216 = arith.constant 0 : i32
      %parallel_loop3A_217 = arith.index_cast %parallel_loop3A_216 : i32 to index
      %parallel_loop3A_218 = arith.index_cast %parallel_loop3A_154 : i32 to index
      %parallel_loop3A_219 = arith.constant 80 : index
      %parallel_loop3A_220 = tpu.vector_load %arg16[%parallel_loop3A_217, %parallel_loop3A_218, %parallel_loop3A_219] {strides = array<i32>} : memref<2x80x128xf32, #tpu.memory_space<vmem>>, vector<16xf32>,
      %parallel_loop3A_221 = arith.mulf %parallel_loop3A_220, %parallel_loop3A_160 : vector<16xf32>
      %parallel_loop3A_222 = arith.constant 0 : i32
      %parallel_loop3A_223 = arith.index_cast %parallel_loop3A_222 : i32 to index
      %parallel_loop3A_224 = arith.index_cast %parallel_loop3A_154 : i32 to index
      %parallel_loop3A_225 = arith.constant 80 : index
      %parallel_loop3A_226 = tpu.vector_load %arg16[%parallel_loop3A_223, %parallel_loop3A_224, %parallel_loop3A_225] {strides = array<i32>} : memref<2x80x128xf32, #tpu.memory_space<vmem>>, vector<16xf32>,
      tpu.vector_store %arg16[%parallel_loop3A_223, %parallel_loop3A_224, %parallel_loop3A_225], %parallel_loop3A_221 {strides = array<i32>} : memref<2x80x128xf32, #tpu.memory_space<vmem>>, vector<16xf32>,
      %parallel_loop3A_227 = arith.constant 0 : i32
      %parallel_loop3A_228 = arith.index_cast %parallel_loop3A_227 : i32 to index
      %parallel_loop3A_229 = arith.index_cast %parallel_loop3A_154 : i32 to index
      %parallel_loop3A_230 = arith.constant 96 : index
      %parallel_loop3A_231 = tpu.vector_load %arg16[%parallel_loop3A_228, %parallel_loop3A_229, %parallel_loop3A_230] {strides = array<i32>} : memref<2x80x128xf32, #tpu.memory_space<vmem>>, vector<16xf32>,
      %parallel_loop3A_232 = arith.mulf %parallel_loop3A_231, %parallel_loop3A_160 : vector<16xf32>
      %parallel_loop3A_233 = arith.constant 0 : i32
      %parallel_loop3A_234 = arith.index_cast %parallel_loop3A_233 : i32 to index
      %parallel_loop3A_235 = arith.index_cast %parallel_loop3A_154 : i32 to index
      %parallel_loop3A_236 = arith.constant 96 : index
      %parallel_loop3A_237 = tpu.vector_load %arg16[%parallel_loop3A_234, %parallel_loop3A_235, %parallel_loop3A_236] {strides = array<i32>} : memref<2x80x128xf32, #tpu.memory_space<vmem>>, vector<16xf32>,
      tpu.vector_store %arg16[%parallel_loop3A_234, %parallel_loop3A_235, %parallel_loop3A_236], %parallel_loop3A_232 {strides = array<i32>} : memref<2x80x128xf32, #tpu.memory_space<vmem>>, vector<16xf32>,
      %parallel_loop3A_238 = arith.constant 0 : i32
      %parallel_loop3A_239 = arith.index_cast %parallel_loop3A_238 : i32 to index
      %parallel_loop3A_240 = arith.index_cast %parallel_loop3A_154 : i32 to index
      %parallel_loop3A_241 = arith.constant 112 : index
      %parallel_loop3A_242 = tpu.vector_load %arg16[%parallel_loop3A_239, %parallel_loop3A_240, %parallel_loop3A_241] {strides = array<i32>} : memref<2x80x128xf32, #tpu.memory_space<vmem>>, vector<16xf32>,
      %parallel_loop3A_243 = arith.mulf %parallel_loop3A_242, %parallel_loop3A_160 : vector<16xf32>
      %parallel_loop3A_244 = arith.constant 0 : i32
      %parallel_loop3A_245 = arith.index_cast %parallel_loop3A_244 : i32 to index
      %parallel_loop3A_246 = arith.index_cast %parallel_loop3A_154 : i32 to index
      %parallel_loop3A_247 = arith.constant 112 : index
      %parallel_loop3A_248 = tpu.vector_load %arg16[%parallel_loop3A_245, %parallel_loop3A_246, %parallel_loop3A_247] {strides = array<i32>} : memref<2x80x128xf32, #tpu.memory_space<vmem>>, vector<16xf32>,
      tpu.vector_store %arg16[%parallel_loop3A_245, %parallel_loop3A_246, %parallel_loop3A_247], %parallel_loop3A_243 {strides = array<i32>} : memref<2x80x128xf32, #tpu.memory_space<vmem>>, vector<16xf32>,
    } {sc.loop_unroll_factor = 4 : i64, sc.parallel_access}
    %dma_start3A_102 = arith.constant 0 : i32
    %dma_start3A_103 = arith.constant 0 : i32
    %dma_start3A_104 = arith.constant 0 : i32
    %dma_start3A_105 = arith.constant 0 : i32
    %dma_start3A_106 = arith.constant 0 : i32
    %dma_start3A_107 = tpu.memref_slice %arg16[%dma_start3A_102, %dma_start3A_105, %dma_start3A_106] : memref<2x80x128xf32, #tpu.memory_space<vmem>> -> memref<1x80x128xf32, #tpu.memory_space<vmem>>
    %dma_start3A_108 = tpu.memref_squeeze %dma_start3A_107 : memref<1x80x128xf32, #tpu.memory_space<vmem>> -> memref<80x128xf32, #tpu.memory_space<vmem>>
    %dma_start3A_109 = arith.constant 0 : i32
    %dma_start3A_110 = tpu.memref_slice %arg13[%dma_start3A_103, %dma_start3A_109] : memref<2x80xi32, #tpu.memory_space<vmem>> -> memref<1x80xi32, #tpu.memory_space<vmem>>
    %dma_start3A_111 = tpu.memref_squeeze %dma_start3A_110 : memref<1x80xi32, #tpu.memory_space<vmem>> -> memref<80xi32, #tpu.memory_space<vmem>>
    %dma_start3A_112 = arith.constant 0 : i32
    %dma_start3A_113 = arith.constant 0 : i32
    %dma_start3A_114 = tpu.memref_slice %arg17[%dma_start3A_112, %dma_start3A_113] : memref<10000x128xf32, #tpu.memory_space<vmem_shared>> -> memref<10000x128xf32, #tpu.memory_space<vmem_shared>>
    %dma_start3A_115 = tpu.memref_slice %arg22[%dma_start3A_104] : memref<2x!tpu.dma_semaphore, #tpu.memory_space<semaphore_mem>> -> memref<1x!tpu.dma_semaphore, #tpu.memory_space<semaphore_mem>>
    %dma_start3A_116 = tpu.memref_squeeze %dma_start3A_115 : memref<1x!tpu.dma_semaphore, #tpu.memory_space<semaphore_mem>> -> memref<!tpu.dma_semaphore, #tpu.memory_space<semaphore_mem>>
    tpu.enqueue_indirect_dma source(%dma_start3A_108 : memref<80x128xf32, #tpu.memory_space<vmem>>) target(%dma_start3A_114 : memref<10000x128xf32, #tpu.memory_space<vmem_shared>>) offsets(%dma_start3A_111 : memref<80xi32, #tpu.memory_space<vmem>>) semaphore(%dma_start3A_116 : memref<!tpu.dma_semaphore, #tpu.memory_space<semaphore_mem>>) {add = true}
    %dma_wait3A_117 = arith.constant 1 : i32
    %dma_wait3A_118 = arith.constant 1 : i32
    %dma_wait3A_119 = arith.constant 1 : i32
    %dma_wait3A_120 = arith.constant 0 : i32
    %dma_wait3A_121 = arith.constant 0 : i32
    %dma_wait3A_122 = tpu.memref_slice %arg16[%dma_wait3A_117, %dma_wait3A_120, %dma_wait3A_121] : memref<2x80x128xf32, #tpu.memory_space<vmem>> -> memref<1x80x128xf32, #tpu.memory_space<vmem>>
    %dma_wait3A_123 = tpu.memref_squeeze %dma_wait3A_122 : memref<1x80x128xf32, #tpu.memory_space<vmem>> -> memref<80x128xf32, #tpu.memory_space<vmem>>
    %dma_wait3A_124 = arith.constant 0 : i32
    %dma_wait3A_125 = tpu.memref_slice %arg13[%dma_wait3A_118, %dma_wait3A_124] : memref<2x80xi32, #tpu.memory_space<vmem>> -> memref<1x80xi32, #tpu.memory_space<vmem>>
    %dma_wait3A_126 = tpu.memref_squeeze %dma_wait3A_125 : memref<1x80xi32, #tpu.memory_space<vmem>> -> memref<80xi32, #tpu.memory_space<vmem>>
    %dma_wait3A_127 = arith.constant 0 : i32
    %dma_wait3A_128 = arith.constant 0 : i32
    %dma_wait3A_129 = tpu.memref_slice %arg17[%dma_wait3A_127, %dma_wait3A_128] : memref<10000x128xf32, #tpu.memory_space<vmem_shared>> -> memref<10000x128xf32, #tpu.memory_space<vmem_shared>>
    %dma_wait3A_130 = tpu.memref_slice %arg22[%dma_wait3A_119] : memref<2x!tpu.dma_semaphore, #tpu.memory_space<semaphore_mem>> -> memref<1x!tpu.dma_semaphore, #tpu.memory_space<semaphore_mem>>
    %dma_wait3A_131 = tpu.memref_squeeze %dma_wait3A_130 : memref<1x!tpu.dma_semaphore, #tpu.memory_space<semaphore_mem>> -> memref<!tpu.dma_semaphore, #tpu.memory_space<semaphore_mem>>
    tpu.wait_indirect_dma semaphore(%dma_wait3A_131 : memref<!tpu.dma_semaphore, #tpu.memory_space<semaphore_mem>>) src(%dma_wait3A_123 : memref<80x128xf32, #tpu.memory_space<vmem>>) dst(%dma_wait3A_129 : memref<10000x128xf32, #tpu.memory_space<vmem_shared>>)
    %dma_wait3A_132 = arith.constant 0 : i32
    %dma_wait3A_133 = arith.constant 0 : i32
    %dma_wait3A_134 = arith.constant 0 : i32
    %dma_wait3A_135 = arith.constant 0 : i32
    %dma_wait3A_136 = arith.constant 0 : i32
    %dma_wait3A_137 = tpu.memref_slice %arg16[%dma_wait3A_132, %dma_wait3A_135, %dma_wait3A_136] : memref<2x80x128xf32, #tpu.memory_space<vmem>> -> memref<1x80x128xf32, #tpu.memory_space<vmem>>
    %dma_wait3A_138 = tpu.memref_squeeze %dma_wait3A_137 : memref<1x80x128xf32, #tpu.memory_space<vmem>> -> memref<80x128xf32, #tpu.memory_space<vmem>>
    %dma_wait3A_139 = arith.constant 0 : i32
    %dma_wait3A_140 = tpu.memref_slice %arg13[%dma_wait3A_133, %dma_wait3A_139] : memref<2x80xi32, #tpu.memory_space<vmem>> -> memref<1x80xi32, #tpu.memory_space<vmem>>
    %dma_wait3A_141 = tpu.memref_squeeze %dma_wait3A_140 : memref<1x80xi32, #tpu.memory_space<vmem>> -> memref<80xi32, #tpu.memory_space<vmem>>
    %dma_wait3A_142 = arith.constant 0 : i32
    %dma_wait3A_143 = arith.constant 0 : i32
    %dma_wait3A_144 = tpu.memref_slice %arg17[%dma_wait3A_142, %dma_wait3A_143] : memref<10000x128xf32, #tpu.memory_space<vmem_shared>> -> memref<10000x128xf32, #tpu.memory_space<vmem_shared>>
    %dma_wait3A_145 = tpu.memref_slice %arg22[%dma_wait3A_134] : memref<2x!tpu.dma_semaphore, #tpu.memory_space<semaphore_mem>> -> memref<1x!tpu.dma_semaphore, #tpu.memory_space<semaphore_mem>>
    %dma_wait3A_146 = tpu.memref_squeeze %dma_wait3A_145 : memref<1x!tpu.dma_semaphore, #tpu.memory_space<semaphore_mem>> -> memref<!tpu.dma_semaphore, #tpu.memory_space<semaphore_mem>>
    tpu.wait_indirect_dma semaphore(%dma_wait3A_146 : memref<!tpu.dma_semaphore, #tpu.memory_space<semaphore_mem>>) src(%dma_wait3A_138 : memref<80x128xf32, #tpu.memory_space<vmem>>) dst(%dma_wait3A_144 : memref<10000x128xf32, #tpu.memory_space<vmem_shared>>)
    %barrier3A_147 = arith.constant 0 : index
    tpu.barrier barrier_id(%barrier3A_147)
    %mul3A_148 = arith.constant 625 : i32
    %mul3A_149 = arith.muli %arg1, %mul3A_148 : i32
    %mul3A_150 = arith.constant 625 : i32
    %mul3A_151 = arith.muli %arg1, %mul3A_150 : i32
    %mul3A_152 = arith.constant 128 : i32
    %mul3A_153 = arith.muli %arg0, %mul3A_152 : i32
    "tpu.region"() ({
      %run_scoped3A = tpu.sem_alloc : memref<!tpu.dma_semaphore, #tpu.memory_space<semaphore_mem>>
      %dma_start3A_154 = tpu.memref_slice %arg8[%mul3A_151, %mul3A_153] : memref<10000x256xf32, #tpu.memory_space<hbm>> -> memref<625x128xf32, #tpu.memory_space<hbm>>
      %dma_start3A_155 = arith.constant 0 : i32
      %dma_start3A_156 = tpu.memref_slice %arg17[%mul3A_149, %dma_start3A_155] : memref<10000x128xf32, #tpu.memory_space<vmem_shared>> -> memref<625x128xf32, #tpu.memory_space<vmem_shared>>
      tpu.enqueue_dma source(%dma_start3A_156 : memref<625x128xf32, #tpu.memory_space<vmem_shared>>) target(%dma_start3A_154 : memref<625x128xf32, #tpu.memory_space<hbm>>) target_semaphore(%run_scoped3A : memref<!tpu.dma_semaphore, #tpu.memory_space<semaphore_mem>>)
      %dma_wait3A_157 = tpu.memref_slice %arg8[%mul3A_151, %mul3A_153] : memref<10000x256xf32, #tpu.memory_space<hbm>> -> memref<625x128xf32, #tpu.memory_space<hbm>>
      %dma_wait3A_158 = arith.constant 0 : i32
      %dma_wait3A_159 = tpu.memref_slice %arg17[%mul3A_149, %dma_wait3A_158] : memref<10000x128xf32, #tpu.memory_space<vmem_shared>> -> memref<625x128xf32, #tpu.memory_space<vmem_shared>>
      tpu.wait_dma2 semaphore(%run_scoped3A : memref<!tpu.dma_semaphore, #tpu.memory_space<semaphore_mem>>) src(%dma_wait3A_159 : memref<625x128xf32, #tpu.memory_space<vmem_shared>>) dst(%dma_wait3A_157 : memref<625x128xf32, #tpu.memory_space<hbm>>)
      tpu.yield
    }) : () -> ()
    return
  }
}

#map = affine_map<(d0, d1) -> (0, 0)>
#map1 = affine_map<(d0, d1) -> (0, 0, 0)>
module attributes {stable_mosaic.version = 14 : i64} {
  func.func @_deg_kernel(%arg0: i32, %arg1: i32, %arg2: memref<4000x40xi32, #tpu.memory_space<hbm>>, %arg3: memref<4000x40xf32, #tpu.memory_space<hbm>>, %arg4: memref<2x16x640xf32, #tpu.memory_space<hbm>>, %arg5: memref<125x40xi32, #tpu.memory_space<vmem>>, %arg6: memref<125x40xf32, #tpu.memory_space<vmem>>, %arg7: memref<640xf32, #tpu.memory_space<vmem>>, %arg8: memref<10240xf32, #tpu.memory_space<vmem_shared>>) attributes {dimension_semantics = [#tpu.dimension_semantics<core_parallel>, #tpu.dimension_semantics<subcore_parallel>], iteration_bounds = array<i64: 2, 16>, scalar_prefetch = 0 : i64, scratch_operands = 4 : i64, tpu.core_type = #tpu.core_type<sc_vector_subcore>, window_params = [{transform_indices = #map}, {transform_indices = #map}, {transform_indices = #map1}]} {
    %broadcast_in_dim3A = arith.constant 0.000000e+00 : f32
    %broadcast_in_dim3A_0 = vector.broadcast %broadcast_in_dim3A : f32 to vector<16xf32>
    %scan3A = arith.constant 0 : i32
    %scan3A_1 = arith.constant 0 : i32
    %scan3A_2 = arith.constant 40 : i32
    %scan3A_3 = arith.addi %scan3A_1, %scan3A_2 : i32
    %scan3A_4 = arith.constant 1 : i32
    scf.for %scan3A_20 = %scan3A_1 to %scan3A_3 step %scan3A_4  : i32 {
      %mul3A_21 = arith.constant 16 : i32
      %mul3A_22 = arith.muli %scan3A_20, %mul3A_21 : i32
      %swap3A = arith.index_cast %mul3A_22 : i32 to index
      %swap3A_23 = tpu.vector_load %arg7[%swap3A] {strides = array<i32>} : memref<640xf32, #tpu.memory_space<vmem>>, vector<16xf32>,
      tpu.vector_store %arg7[%swap3A], %broadcast_in_dim3A_0 {strides = array<i32>} : memref<640xf32, #tpu.memory_space<vmem>>, vector<16xf32>,
    }
    %scan3A_5 = arith.constant 40 : i32
    %mul3A = arith.constant 640 : i32
    %mul3A_6 = arith.muli %arg1, %mul3A : i32
    "tpu.region"() ({
      %run_scoped3A = tpu.sem_alloc : memref<!tpu.dma_semaphore, #tpu.memory_space<semaphore_mem>>
      %dma_start3A = tpu.memref_slice %arg8[%mul3A_6] : memref<10240xf32, #tpu.memory_space<vmem_shared>> -> memref<640xf32, #tpu.memory_space<vmem_shared>>
      %dma_start3A_20 = tpu.memref_slice %arg8[%mul3A_6] : memref<10240xf32, #tpu.memory_space<vmem_shared>> -> memref<640xf32, #tpu.memory_space<vmem_shared>>
      tpu.enqueue_dma source(%arg7 : memref<640xf32, #tpu.memory_space<vmem>>) target(%dma_start3A_20 : memref<640xf32, #tpu.memory_space<vmem_shared>>) target_semaphore(%run_scoped3A : memref<!tpu.dma_semaphore, #tpu.memory_space<semaphore_mem>>)
      %dma_wait3A = tpu.memref_slice %arg8[%mul3A_6] : memref<10240xf32, #tpu.memory_space<vmem_shared>> -> memref<640xf32, #tpu.memory_space<vmem_shared>>
      %dma_wait3A_21 = tpu.memref_slice %arg8[%mul3A_6] : memref<10240xf32, #tpu.memory_space<vmem_shared>> -> memref<640xf32, #tpu.memory_space<vmem_shared>>
      tpu.wait_dma2 semaphore(%run_scoped3A : memref<!tpu.dma_semaphore, #tpu.memory_space<semaphore_mem>>) src(%arg7 : memref<640xf32, #tpu.memory_space<vmem>>) dst(%dma_wait3A_21 : memref<640xf32, #tpu.memory_space<vmem_shared>>)
      tpu.yield
    }) : () -> ()
    %mul3A_7 = arith.constant 16 : i32
    %mul3A_8 = arith.muli %arg0, %mul3A_7 : i32
    %add3A = arith.addi %mul3A_8, %arg1 : i32
    %mul3A_9 = arith.constant 125 : i32
    %mul3A_10 = arith.muli %add3A, %mul3A_9 : i32
    "tpu.region"() ({
      %run_scoped3A = tpu.sem_alloc : memref<!tpu.dma_semaphore, #tpu.memory_space<semaphore_mem>>
      %dma_start3A = arith.constant 0 : i32
      %dma_start3A_20 = tpu.memref_slice %arg2[%mul3A_10, %dma_start3A] : memref<4000x40xi32, #tpu.memory_space<hbm>> -> memref<125x40xi32, #tpu.memory_space<hbm>>
      %dma_start3A_21 = arith.constant 0 : i32
      %dma_start3A_22 = tpu.memref_slice %arg2[%mul3A_10, %dma_start3A_21] : memref<4000x40xi32, #tpu.memory_space<hbm>> -> memref<125x40xi32, #tpu.memory_space<hbm>>
      tpu.enqueue_dma source(%dma_start3A_22 : memref<125x40xi32, #tpu.memory_space<hbm>>) target(%arg5 : memref<125x40xi32, #tpu.memory_space<vmem>>) target_semaphore(%run_scoped3A : memref<!tpu.dma_semaphore, #tpu.memory_space<semaphore_mem>>)
      %dma_wait3A = arith.constant 0 : i32
      %dma_wait3A_23 = tpu.memref_slice %arg2[%mul3A_10, %dma_wait3A] : memref<4000x40xi32, #tpu.memory_space<hbm>> -> memref<125x40xi32, #tpu.memory_space<hbm>>
      %dma_wait3A_24 = arith.constant 0 : i32
      %dma_wait3A_25 = tpu.memref_slice %arg2[%mul3A_10, %dma_wait3A_24] : memref<4000x40xi32, #tpu.memory_space<hbm>> -> memref<125x40xi32, #tpu.memory_space<hbm>>
      tpu.wait_dma2 semaphore(%run_scoped3A : memref<!tpu.dma_semaphore, #tpu.memory_space<semaphore_mem>>) src(%dma_wait3A_25 : memref<125x40xi32, #tpu.memory_space<hbm>>) dst(%arg5 : memref<125x40xi32, #tpu.memory_space<vmem>>)
      tpu.yield
    }) : () -> ()
    "tpu.region"() ({
      %run_scoped3A = tpu.sem_alloc : memref<!tpu.dma_semaphore, #tpu.memory_space<semaphore_mem>>
      %dma_start3A = arith.constant 0 : i32
      %dma_start3A_20 = tpu.memref_slice %arg3[%mul3A_10, %dma_start3A] : memref<4000x40xf32, #tpu.memory_space<hbm>> -> memref<125x40xf32, #tpu.memory_space<hbm>>
      %dma_start3A_21 = arith.constant 0 : i32
      %dma_start3A_22 = tpu.memref_slice %arg3[%mul3A_10, %dma_start3A_21] : memref<4000x40xf32, #tpu.memory_space<hbm>> -> memref<125x40xf32, #tpu.memory_space<hbm>>
      tpu.enqueue_dma source(%dma_start3A_22 : memref<125x40xf32, #tpu.memory_space<hbm>>) target(%arg6 : memref<125x40xf32, #tpu.memory_space<vmem>>) target_semaphore(%run_scoped3A : memref<!tpu.dma_semaphore, #tpu.memory_space<semaphore_mem>>)
      %dma_wait3A = arith.constant 0 : i32
      %dma_wait3A_23 = tpu.memref_slice %arg3[%mul3A_10, %dma_wait3A] : memref<4000x40xf32, #tpu.memory_space<hbm>> -> memref<125x40xf32, #tpu.memory_space<hbm>>
      %dma_wait3A_24 = arith.constant 0 : i32
      %dma_wait3A_25 = tpu.memref_slice %arg3[%mul3A_10, %dma_wait3A_24] : memref<4000x40xf32, #tpu.memory_space<hbm>> -> memref<125x40xf32, #tpu.memory_space<hbm>>
      tpu.wait_dma2 semaphore(%run_scoped3A : memref<!tpu.dma_semaphore, #tpu.memory_space<semaphore_mem>>) src(%dma_wait3A_25 : memref<125x40xf32, #tpu.memory_space<hbm>>) dst(%arg6 : memref<125x40xf32, #tpu.memory_space<vmem>>)
      tpu.yield
    }) : () -> ()
    %barrier3A = arith.constant 0 : index
    tpu.barrier barrier_id(%barrier3A)
    %scan3A_11 = arith.constant 0 : i32
    %scan3A_12 = arith.constant 0 : i32
    %scan3A_13 = arith.constant 125 : i32
    %scan3A_14 = arith.addi %scan3A_12, %scan3A_13 : i32
    %scan3A_15 = arith.constant 1 : i32
    scf.for %scan3A_20 = %scan3A_12 to %scan3A_14 step %scan3A_15  : i32 {
      "tpu.region"() ({
        %run_scoped3A = tpu.sem_alloc : memref<!tpu.dma_semaphore, #tpu.memory_space<semaphore_mem>>
        %dma_start3A = arith.constant 0 : i32
        %dma_start3A_21 = tpu.memref_slice %arg6[%scan3A_20, %dma_start3A] : memref<125x40xf32, #tpu.memory_space<vmem>> -> memref<1x40xf32, #tpu.memory_space<vmem>>
        %dma_start3A_22 = tpu.memref_squeeze %dma_start3A_21 : memref<1x40xf32, #tpu.memory_space<vmem>> -> memref<40xf32, #tpu.memory_space<vmem>>
        %dma_start3A_23 = arith.constant 0 : i32
        %dma_start3A_24 = tpu.memref_slice %arg5[%scan3A_20, %dma_start3A_23] : memref<125x40xi32, #tpu.memory_space<vmem>> -> memref<1x40xi32, #tpu.memory_space<vmem>>
        %dma_start3A_25 = tpu.memref_squeeze %dma_start3A_24 : memref<1x40xi32, #tpu.memory_space<vmem>> -> memref<40xi32, #tpu.memory_space<vmem>>
        %dma_start3A_26 = arith.constant 0 : i32
        %dma_start3A_27 = tpu.memref_slice %arg8[%dma_start3A_26] : memref<10240xf32, #tpu.memory_space<vmem_shared>> -> memref<10240xf32, #tpu.memory_space<vmem_shared>>
        tpu.enqueue_indirect_dma source(%dma_start3A_22 : memref<40xf32, #tpu.memory_space<vmem>>) target(%dma_start3A_27 : memref<10240xf32, #tpu.memory_space<vmem_shared>>) offsets(%dma_start3A_25 : memref<40xi32, #tpu.memory_space<vmem>>) semaphore(%run_scoped3A : memref<!tpu.dma_semaphore, #tpu.memory_space<semaphore_mem>>) {add = true}
        %dma_wait3A = arith.constant 0 : i32
        %dma_wait3A_28 = tpu.memref_slice %arg6[%scan3A_20, %dma_wait3A] : memref<125x40xf32, #tpu.memory_space<vmem>> -> memref<1x40xf32, #tpu.memory_space<vmem>>
        %dma_wait3A_29 = tpu.memref_squeeze %dma_wait3A_28 : memref<1x40xf32, #tpu.memory_space<vmem>> -> memref<40xf32, #tpu.memory_space<vmem>>
        %dma_wait3A_30 = arith.constant 0 : i32
        %dma_wait3A_31 = tpu.memref_slice %arg5[%scan3A_20, %dma_wait3A_30] : memref<125x40xi32, #tpu.memory_space<vmem>> -> memref<1x40xi32, #tpu.memory_space<vmem>>
        %dma_wait3A_32 = tpu.memref_squeeze %dma_wait3A_31 : memref<1x40xi32, #tpu.memory_space<vmem>> -> memref<40xi32, #tpu.memory_space<vmem>>
        %dma_wait3A_33 = arith.constant 0 : i32
        %dma_wait3A_34 = tpu.memref_slice %arg8[%dma_wait3A_33] : memref<10240xf32, #tpu.memory_space<vmem_shared>> -> memref<10240xf32, #tpu.memory_space<vmem_shared>>
        tpu.wait_indirect_dma semaphore(%run_scoped3A : memref<!tpu.dma_semaphore, #tpu.memory_space<semaphore_mem>>) src(%dma_wait3A_29 : memref<40xf32, #tpu.memory_space<vmem>>) dst(%dma_wait3A_34 : memref<10240xf32, #tpu.memory_space<vmem_shared>>)
        tpu.yield
      }) : () -> ()
    }
    %scan3A_16 = arith.constant 125 : i32
    %barrier3A_17 = arith.constant 0 : index
    tpu.barrier barrier_id(%barrier3A_17)
    %mul3A_18 = arith.constant 640 : i32
    %mul3A_19 = arith.muli %arg1, %mul3A_18 : i32
    "tpu.region"() ({
      %run_scoped3A = tpu.sem_alloc : memref<!tpu.dma_semaphore, #tpu.memory_space<semaphore_mem>>
      %dma_start3A = tpu.memref_slice %arg8[%mul3A_19] : memref<10240xf32, #tpu.memory_space<vmem_shared>> -> memref<640xf32, #tpu.memory_space<vmem_shared>>
      %dma_start3A_20 = tpu.memref_slice %arg8[%mul3A_19] : memref<10240xf32, #tpu.memory_space<vmem_shared>> -> memref<640xf32, #tpu.memory_space<vmem_shared>>
      tpu.enqueue_dma source(%dma_start3A_20 : memref<640xf32, #tpu.memory_space<vmem_shared>>) target(%arg7 : memref<640xf32, #tpu.memory_space<vmem>>) target_semaphore(%run_scoped3A : memref<!tpu.dma_semaphore, #tpu.memory_space<semaphore_mem>>)
      %dma_wait3A = tpu.memref_slice %arg8[%mul3A_19] : memref<10240xf32, #tpu.memory_space<vmem_shared>> -> memref<640xf32, #tpu.memory_space<vmem_shared>>
      %dma_wait3A_21 = tpu.memref_slice %arg8[%mul3A_19] : memref<10240xf32, #tpu.memory_space<vmem_shared>> -> memref<640xf32, #tpu.memory_space<vmem_shared>>
      tpu.wait_dma2 semaphore(%run_scoped3A : memref<!tpu.dma_semaphore, #tpu.memory_space<semaphore_mem>>) src(%dma_wait3A_21 : memref<640xf32, #tpu.memory_space<vmem_shared>>) dst(%arg7 : memref<640xf32, #tpu.memory_space<vmem>>)
      tpu.yield
    }) : () -> ()
    "tpu.region"() ({
      %run_scoped3A = tpu.sem_alloc : memref<!tpu.dma_semaphore, #tpu.memory_space<semaphore_mem>>
      %dma_start3A = arith.constant 0 : i32
      %dma_start3A_20 = tpu.memref_slice %arg4[%arg0, %arg1, %dma_start3A] : memref<2x16x640xf32, #tpu.memory_space<hbm>> -> memref<1x1x640xf32, #tpu.memory_space<hbm>>
      %dma_start3A_21 = tpu.memref_squeeze %dma_start3A_20 : memref<1x1x640xf32, #tpu.memory_space<hbm>> -> memref<640xf32, #tpu.memory_space<hbm>>
      %dma_start3A_22 = arith.constant 0 : i32
      %dma_start3A_23 = tpu.memref_slice %arg4[%arg0, %arg1, %dma_start3A_22] : memref<2x16x640xf32, #tpu.memory_space<hbm>> -> memref<1x1x640xf32, #tpu.memory_space<hbm>>
      %dma_start3A_24 = tpu.memref_squeeze %dma_start3A_23 : memref<1x1x640xf32, #tpu.memory_space<hbm>> -> memref<640xf32, #tpu.memory_space<hbm>>
      tpu.enqueue_dma source(%arg7 : memref<640xf32, #tpu.memory_space<vmem>>) target(%dma_start3A_24 : memref<640xf32, #tpu.memory_space<hbm>>) target_semaphore(%run_scoped3A : memref<!tpu.dma_semaphore, #tpu.memory_space<semaphore_mem>>)
      %dma_wait3A = arith.constant 0 : i32
      %dma_wait3A_25 = tpu.memref_slice %arg4[%arg0, %arg1, %dma_wait3A] : memref<2x16x640xf32, #tpu.memory_space<hbm>> -> memref<1x1x640xf32, #tpu.memory_space<hbm>>
      %dma_wait3A_26 = tpu.memref_squeeze %dma_wait3A_25 : memref<1x1x640xf32, #tpu.memory_space<hbm>> -> memref<640xf32, #tpu.memory_space<hbm>>
      %dma_wait3A_27 = arith.constant 0 : i32
      %dma_wait3A_28 = tpu.memref_slice %arg4[%arg0, %arg1, %dma_wait3A_27] : memref<2x16x640xf32, #tpu.memory_space<hbm>> -> memref<1x1x640xf32, #tpu.memory_space<hbm>>
      %dma_wait3A_29 = tpu.memref_squeeze %dma_wait3A_28 : memref<1x1x640xf32, #tpu.memory_space<hbm>> -> memref<640xf32, #tpu.memory_space<hbm>>
      tpu.wait_dma2 semaphore(%run_scoped3A : memref<!tpu.dma_semaphore, #tpu.memory_space<semaphore_mem>>) src(%arg7 : memref<640xf32, #tpu.memory_space<vmem>>) dst(%dma_wait3A_29 : memref<640xf32, #tpu.memory_space<hbm>>)
      tpu.yield
    }) : () -> ()
    return
  }
}

module attributes {stable_mosaic.version = 14 : i64} {
  func.func @_tc_body(%arg0: i32, %arg1: memref<400x256xf32, #tpu.memory_space<vmem>>, %arg2: memref<256x256xf32, #tpu.memory_space<vmem>>, %arg3: memref<1x256xf32, #tpu.memory_space<vmem>>, %arg4: memref<25x400xf32, #tpu.memory_space<vmem>>, %arg5: memref<25x400xf32, #tpu.memory_space<vmem>>, %arg6: memref<2x400x128xf32, #tpu.memory_space<vmem>>, %arg7: memref<25x400xf32, #tpu.memory_space<vmem>>, %arg8: memref<2x400x128xf32, #tpu.memory_space<vmem>>) attributes {dimension_semantics = [#tpu.dimension_semantics<arbitrary>], iteration_bounds = array<i64: 25>, scalar_prefetch = 0 : i64, scratch_operands = 0 : i64, tpu.core_type = #tpu.core_type<tc>, window_params = [{transform_indices = @transform_0, window_bounds = array<i64: 400, 256>}, {pipeline_mode = #tpu.pipeline_mode<synchronous>, transform_indices = @transform_1, window_bounds = array<i64: 256, 256>}, {pipeline_mode = #tpu.pipeline_mode<synchronous>, transform_indices = @transform_2, window_bounds = array<i64: 1, 256>}, {pipeline_mode = #tpu.pipeline_mode<synchronous>, transform_indices = @transform_3, window_bounds = array<i64: 25, 400>}, {pipeline_mode = #tpu.pipeline_mode<synchronous>, transform_indices = @transform_4, window_bounds = array<i64: 25, 400>}, {transform_indices = @transform_5, window_bounds = array<i64: 2, 400, 128>}, {pipeline_mode = #tpu.pipeline_mode<synchronous>, transform_indices = @transform_6, window_bounds = array<i64: 25, 400>}, {transform_indices = @transform_7, window_bounds = array<i64: 2, 400, 128>}]} {
    %get3A = arith.constant 0 : index
    %get3A_0 = arith.constant 0 : index
    %get3A_1 = vector.load %arg1[%get3A, %get3A_0] : memref<400x256xf32, #tpu.memory_space<vmem>>, vector<400x256xf32>
    %get3A_2 = arith.constant 0 : index
    %get3A_3 = arith.constant 0 : index
    %get3A_4 = vector.load %arg2[%get3A_2, %get3A_3] : memref<256x256xf32, #tpu.memory_space<vmem>>, vector<256x256xf32>
    %dot_general3A = arith.constant dense<0.000000e+00> : vector<400x256xf32>
    %dot_general3A_5 = tpu.matmul %get3A_1, %get3A_4, %dot_general3A {dimension_numbers = #tpu.dot_dimension_numbers<[1], [0], [0], [1], [0, 0, 1, 1], [], []>, transpose_lhs_hint = false} : vector<400x256xf32>, vector<256x256xf32>, vector<400x256xf32> -> vector<400x256xf32>
    %get3A_6 = arith.index_cast %arg0 : i32 to index
    %get3A_7 = arith.constant 0 : index
    %get3A_8 = vector.load %arg4[%get3A_6, %get3A_7] : memref<25x400xf32, #tpu.memory_space<vmem>>, vector<1x400xf32>
    %get3A_9 = arith.index_cast %arg0 : i32 to index
    %get3A_10 = arith.constant 0 : index
    %get3A_11 = vector.load %arg5[%get3A_9, %get3A_10] : memref<25x400xf32, #tpu.memory_space<vmem>>, vector<1x400xf32>
    %add3A = arith.addf %get3A_8, %get3A_11 : vector<1x400xf32>
    %add3A_12 = arith.constant 1.000000e+00 : f32
    %add3A_13 = vector.broadcast %add3A_12 : f32 to vector<1x400xf32>
    %add3A_14 = arith.addf %add3A, %add3A_13 : vector<1x400xf32>
    %gt3A = arith.constant 0.000000e+00 : f32
    %gt3A_15 = vector.broadcast %gt3A : f32 to vector<1x400xf32>
    %gt3A_16 = arith.cmpf ogt, %add3A_14, %gt3A_15 : vector<1x400xf32>
    %gt3A_17 = arith.constant 0.000000e+00 : f32
    %gt3A_18 = vector.broadcast %gt3A_17 : f32 to vector<1x400xf32>
    %gt3A_19 = arith.cmpf ogt, %add3A_14, %gt3A_18 : vector<1x400xf32>
    %jit3A = arith.constant 1.000000e+00 : f32
    %broadcast_in_dim3A = vector.broadcast %jit3A : f32 to vector<1x400xf32>
    %select_n3A = arith.select %gt3A_19, %add3A_14, %broadcast_in_dim3A : vector<1x400xi1>, vector<1x400xf32>
    %rsqrt3A = math.rsqrt %select_n3A : vector<1x400xf32>
    %jit3A_20 = arith.constant 0.000000e+00 : f32
    %broadcast_in_dim3A_21 = vector.broadcast %jit3A_20 : f32 to vector<1x400xf32>
    %select_n3A_22 = arith.select %gt3A_16, %rsqrt3A, %broadcast_in_dim3A_21 : vector<1x400xi1>, vector<1x400xf32>
    %swap3A = arith.index_cast %arg0 : i32 to index
    %swap3A_23 = arith.constant 0 : index
    %swap3A_24 = vector.load %arg7[%swap3A, %swap3A_23] : memref<25x400xf32, #tpu.memory_space<vmem>>, vector<1x400xf32>
    tpu.vector_store %arg7[%swap3A, %swap3A_23], %select_n3A_22 {strides = array<i32>} : memref<25x400xf32, #tpu.memory_space<vmem>>, vector<1x400xf32>,
    %reshape3A = vector.shape_cast %select_n3A_22 : vector<1x400xf32> to vector<400x1xf32>
    %mul3A = arith.mulf %reshape3A, %reshape3A : vector<400x1xf32>
    %mul3A_25 = vector.broadcast %mul3A : vector<400x1xf32> to vector<400x256xf32>
    %mul3A_26 = arith.mulf %dot_general3A_5, %mul3A_25 : vector<400x256xf32>
    %get3A_27 = arith.constant 0 : index
    %get3A_28 = arith.constant 0 : index
    %get3A_29 = vector.load %arg3[%get3A_27, %get3A_28] : memref<1x256xf32, #tpu.memory_space<vmem>>, vector<1x256xf32>
    %add3A_30 = vector.broadcast %get3A_29 : vector<1x256xf32> to vector<400x256xf32>
    %add3A_31 = arith.addf %mul3A_26, %add3A_30 : vector<400x256xf32>
    %slice3A = vector.extract_strided_slice %dot_general3A_5 {offsets = [0, 0], sizes = [400, 128], strides = [1, 1]} : vector<400x256xf32> to vector<400x128xf32>
    %swap3A_32 = arith.constant 0 : index
    %swap3A_33 = arith.constant 0 : index
    %swap3A_34 = arith.constant 0 : index
    %swap3A_35 = vector.load %arg6[%swap3A_32, %swap3A_33, %swap3A_34] : memref<2x400x128xf32, #tpu.memory_space<vmem>>, vector<1x400x128xf32>
    %swap3A_36 = vector.shape_cast %swap3A_35 : vector<1x400x128xf32> to vector<400x128xf32>
    %swap3A_37 = vector.shape_cast %slice3A : vector<400x128xf32> to vector<1x400x128xf32>
    tpu.vector_store %arg6[%swap3A_32, %swap3A_33, %swap3A_34], %swap3A_37 {strides = array<i32>} : memref<2x400x128xf32, #tpu.memory_space<vmem>>, vector<1x400x128xf32>,
    %slice3A_38 = vector.extract_strided_slice %dot_general3A_5 {offsets = [0, 128], sizes = [400, 128], strides = [1, 1]} : vector<400x256xf32> to vector<400x128xf32>
    %swap3A_39 = arith.constant 1 : index
    %swap3A_40 = arith.constant 0 : index
    %swap3A_41 = arith.constant 0 : index
    %swap3A_42 = vector.load %arg6[%swap3A_39, %swap3A_40, %swap3A_41] : memref<2x400x128xf32, #tpu.memory_space<vmem>>, vector<1x400x128xf32>
    %swap3A_43 = vector.shape_cast %swap3A_42 : vector<1x400x128xf32> to vector<400x128xf32>
    %swap3A_44 = vector.shape_cast %slice3A_38 : vector<400x128xf32> to vector<1x400x128xf32>
    tpu.vector_store %arg6[%swap3A_39, %swap3A_40, %swap3A_41], %swap3A_44 {strides = array<i32>} : memref<2x400x128xf32, #tpu.memory_space<vmem>>, vector<1x400x128xf32>,
    %slice3A_45 = vector.extract_strided_slice %add3A_31 {offsets = [0, 0], sizes = [400, 128], strides = [1, 1]} : vector<400x256xf32> to vector<400x128xf32>
    %swap3A_46 = arith.constant 0 : index
    %swap3A_47 = arith.constant 0 : index
    %swap3A_48 = arith.constant 0 : index
    %swap3A_49 = vector.load %arg8[%swap3A_46, %swap3A_47, %swap3A_48] : memref<2x400x128xf32, #tpu.memory_space<vmem>>, vector<1x400x128xf32>
    %swap3A_50 = vector.shape_cast %swap3A_49 : vector<1x400x128xf32> to vector<400x128xf32>
    %swap3A_51 = vector.shape_cast %slice3A_45 : vector<400x128xf32> to vector<1x400x128xf32>
    tpu.vector_store %arg8[%swap3A_46, %swap3A_47, %swap3A_48], %swap3A_51 {strides = array<i32>} : memref<2x400x128xf32, #tpu.memory_space<vmem>>, vector<1x400x128xf32>,
    %slice3A_52 = vector.extract_strided_slice %add3A_31 {offsets = [0, 128], sizes = [400, 128], strides = [1, 1]} : vector<400x256xf32> to vector<400x128xf32>
    %swap3A_53 = arith.constant 1 : index
    %swap3A_54 = arith.constant 0 : index
    %swap3A_55 = arith.constant 0 : index
    %swap3A_56 = vector.load %arg8[%swap3A_53, %swap3A_54, %swap3A_55] : memref<2x400x128xf32, #tpu.memory_space<vmem>>, vector<1x400x128xf32>
    %swap3A_57 = vector.shape_cast %swap3A_56 : vector<1x400x128xf32> to vector<400x128xf32>
    %swap3A_58 = vector.shape_cast %slice3A_52 : vector<400x128xf32> to vector<1x400x128xf32>
    tpu.vector_store %arg8[%swap3A_53, %swap3A_54, %swap3A_55], %swap3A_58 {strides = array<i32>} : memref<2x400x128xf32, #tpu.memory_space<vmem>>, vector<1x400x128xf32>,
    return
  }
  func.func @transform_0(%arg0: i32) -> (i32, i32) {
    %c0_i32 = arith.constant 0 : i32
    %c0_i32_0 = arith.constant 0 : i32
    return %arg0, %c0_i32 : i32, i32
  }
  func.func @transform_1(%arg0: i32) -> (i32, i32) {
    %c0_i32 = arith.constant 0 : i32
    %c0_i32_0 = arith.constant 0 : i32
    %c0_i32_1 = arith.constant 0 : i32
    return %c0_i32, %c0_i32_0 : i32, i32
  }
  func.func @transform_2(%arg0: i32) -> (i32, i32) {
    %c0_i32 = arith.constant 0 : i32
    %c0_i32_0 = arith.constant 0 : i32
    %c0_i32_1 = arith.constant 0 : i32
    return %c0_i32, %c0_i32_0 : i32, i32
  }
  func.func @transform_3(%arg0: i32) -> (i32, i32) {
    %c0_i32 = arith.constant 0 : i32
    %c0_i32_0 = arith.constant 0 : i32
    %c0_i32_1 = arith.constant 0 : i32
    return %c0_i32, %c0_i32_0 : i32, i32
  }
  func.func @transform_4(%arg0: i32) -> (i32, i32) {
    %c0_i32 = arith.constant 0 : i32
    %c0_i32_0 = arith.constant 0 : i32
    %c0_i32_1 = arith.constant 0 : i32
    return %c0_i32, %c0_i32_0 : i32, i32
  }
  func.func @transform_5(%arg0: i32) -> (i32, i32, i32) {
    %c0_i32 = arith.constant 0 : i32
    %c0_i32_0 = arith.constant 0 : i32
    %c0_i32_1 = arith.constant 0 : i32
    return %c0_i32, %arg0, %c0_i32_0 : i32, i32, i32
  }
  func.func @transform_6(%arg0: i32) -> (i32, i32) {
    %c0_i32 = arith.constant 0 : i32
    %c0_i32_0 = arith.constant 0 : i32
    %c0_i32_1 = arith.constant 0 : i32
    return %c0_i32, %c0_i32_0 : i32, i32
  }
  func.func @transform_7(%arg0: i32) -> (i32, i32, i32) {
    %c0_i32 = arith.constant 0 : i32
    %c0_i32_0 = arith.constant 0 : i32
    %c0_i32_1 = arith.constant 0 : i32
    return %c0_i32, %arg0, %c0_i32_0 : i32, i32, i32
  }
}

</mosaic_0001>

<sc_bundles>
// kernel: kernel.5.cloned.1.call-start
scs
__scs_entry_jumppad:
0x0: {  	(pc) =	sbr.rel $0x88, $3  }
0x1: {  	(tag) =	ssettag $0x0;
	lr =	simm.s32 $0x1  }
0x2: {  	[smem:$0x3F9C] =	sst lr;
	_ =	strace $0xD0000000  }
0x3: {  	_ = 	snop  }
0x4: {  	_ = 	snop  }
0x5: {  	_ = 	snop  }
0x6: {  	_ = 	snop  }
0x7: {  	_ = 	snop  }
__scs_overlays_trampoline_lowered:
0x8: {  	[smem:$0x3FAB] =	sst s0  }
0x9: {  	[smem:$0x3FAC] =	sst s1  }
0xa: {  	[smem:$0x3FAD] =	sst s2  }
0xb: {  	[smem:$0x3FAE] =	sst s3  }
0xc: {  	[smem:$0x3FAF] =	sst s4  }
0xd: {  	[smem:$0x3FB0] =	sst s5  }
0xe: {  	[smem:$0x3FB1] =	sst s6  }
0xf: {  	[smem:$0x3FB2] =	sst s7  }
0x10: {  	[smem:$0x3FB3] =	sst s8  }
0x11: {  	[smem:$0x3FB4] =	sst s9;
	s0 =	simm.s32 @!p0 $0x0  }
0x12: {  	s1 =	sld [smem:$0x3F9A];
	s0 =	simm.s32 @p0 $0x1  }
0x13: {  	[smem:$0x3FB5] =	sst s0;
	s0 =	simm.s32 @!p1 $0x0  }
0x14: {  	s2 =	sld [smem:$0x3F99];
	s0 =	simm.s32 @p1 $0x1  }
0x15: {  	[smem:$0x3FB6] =	sst s0;
	s0 =	simm.s32 @!p2 $0x0  }
0x16: {  	s3 =	sld [smem:$0x3FDB];
	s0 =	simm.s32 @p2 $0x1  }
0x17: {  	s4 =	simm.s32 $0x1BF5;
	[smem:$0x3FB8] =	sst s0  }
0x18: {  	s0 =	sld [smem:$0x3F9B];
	_ =	swait.ge [sflag:s4], $0x0  }
0x19: {  	s7 =	sld [smem:$0x3F9C]  }
0x1a: {  	s8 =	sadd.s32 $0xFFFFE003, lr  }
0x1b: {  	s9 =	sadd.s32 $0xFFFFFEF7, lr;
	s5 =	simm.s32 $0xFFFFFFFF;
	p2 =	slt.u32 s8, $0xFFFFF086  }
0x1c: {  	p1 =	slt.u32 s9, $0xF7A;
	s5 =	simm.s32 @!p2 $0x0  }
0x1d: {  	s5 =	simm.s32 @p1 $0x1;
	p0 =	seq.s32 s7, s2  }
0x1e: {  	s7 =	smul.u32 @!p0 $0xF7A, s2;
	p2 =	seq.s32 @!p0 s5, $0x0  }
0x1f: {  	s9 =	smul.u32 $0xF7A, s1;
	s8 =	simm.s32 @!p0 $0x1BF5;
	p2 =	por !p2, p0  }
0x20: {  	[sflag:s8] =	ssyncset.s32 @!p0 $0xFFFFF086;
	s6 =	sadd.s32 @!p0 s3, s7;
	s7 =	simm.s32 @!p0 $0x108  }
0x21: {  	s3 =	sadd.s32 s3, s9;
	s6 =	sadd.s32 @!p0 $0x88, s6;
	s7 =	simm.s32 @p2 $0x1082  }
0x22: {  	[simem:s7], [sflag:s8] =	dma.local @!p0 [hbm:s6], $0xF7A  }
0x23: {  	s9 =	sor.u32 $0xD0000000, s2;
	s6 =	simm.s32 $0x108;
	_ =	swait.ge @!p0 [sflag:s8], $0x0  }
0x24: {  	s3 =	sadd.s32 $0x88, s3;
	s6 =	simm.s32 @!p1 $0x1082;
	[sflag:s4] =	ssyncset.s32 $0xFFFFF086  }
0x25: {  	[simem:s6], [sflag:s4] =	dma.local [hbm:s3], $0xF7A  }
0x26: {  	[smem:$0x3F9C] =	sst s1;
	(tag) =	ssettag s2;
	_ =	strace s9  }
0x27: {  	s1 =	sld [smem:$0x3FAC]  }
0x28: {  	s2 =	sld [smem:$0x3FAD]  }
0x29: {  	s4 =	sld [smem:$0x3FAF]  }
0x2a: {  	p0 =	seq.s32 s5, $0x0;
	s5 =	sld [smem:$0x3FB0]  }
0x2b: {  	s6 =	sld [smem:$0x3FB1]  }
0x2c: {  	s7 =	sld [smem:$0x3FB2]  }
0x2d: {  	s3 =	simm.s32 $0x108;
	s8 =	sld [smem:$0x3FB3]  }
0x2e: {  	s3 =	simm.s32 @!p0 $0x1082;
	s9 =	sld [smem:$0x3FB4]  }
0x2f: {  	lr =	sadd.s32 s0, s3;
	s0 =	sld [smem:$0x3FAB]  }
0x30: {  	s3 =	sld [smem:$0x3FAE]  }
0x31: {  	[smem:$0x3FB7] =	sst s10  }
0x32: {  	s10 =	sld [smem:$0x3FB5];
	_ =	sdelay $0x3  }
0x33: {  	p0 =	seq.s32 s10, $0x1;
	s10 =	sld [smem:$0x3FB7];
	_ =	sdelay $0x3  }
0x34: {  	[smem:$0x3FB7] =	sst s10  }
0x35: {  	s10 =	sld [smem:$0x3FB6];
	_ =	sdelay $0x3  }
0x36: {  	p1 =	seq.s32 s10, $0x1;
	s10 =	sld [smem:$0x3FB7];
	_ =	sdelay $0x3  }
0x37: {  	[smem:$0x3FB7] =	sst s10  }
0x38: {  	s10 =	sld [smem:$0x3FB8]  }
0x39: {  	_ = 	snop;
	(pc) =	sbr.ind lr, $3  }
0x3a: {  	_ = 	snop  }
0x3b: {  	_ = 	snop  }
0x3c: {  	p2 =	seq.s32 s10, $0x1;
	s10 =	sld [smem:$0x3FB7]  }
0x3d: {  	_ =	shalt  }
0x3e: {  	_ =	shalt  }
0x3f: {  	_ =	shalt  }
0x40: {  	_ =	shalt  }
0x41: {  	_ =	shalt  }
0x42: {  	_ =	shalt  }
0x43: {  	_ =	shalt  }
0x44: {  	_ =	shalt  }
0x45: {  	_ =	shalt  }
0x46: {  	_ =	shalt  }
0x47: {  	_ =	shalt  }
0x48: {  	_ =	shalt  }
0x49: {  	_ =	shalt  }
0x4a: {  	_ =	shalt  }
0x4b: {  	_ =	shalt  }
0x4c: {  	_ =	shalt  }
0x4d: {  	_ =	shalt  }
0x4e: {  	_ =	shalt  }
0x4f: {  	_ =	shalt  }
0x50: {  	_ =	shalt  }
0x51: {  	_ =	shalt  }
0x52: {  	_ =	shalt  }
0x53: {  	_ =	shalt  }
0x54: {  	_ =	shalt  }
0x55: {  	_ =	shalt  }
0x56: {  	_ =	shalt  }
0x57: {  	_ =	shalt  }
0x58: {  	_ =	shalt  }
0x59: {  	_ =	shalt  }
0x5a: {  	_ =	shalt  }
0x5b: {  	_ =	shalt  }
0x5c: {  	_ =	shalt  }
0x5d: {  	_ =	shalt  }
0x5e: {  	_ =	shalt  }
0x5f: {  	_ =	shalt  }
0x60: {  	_ =	shalt  }
0x61: {  	_ =	shalt  }
0x62: {  	_ =	shalt  }
0x63: {  	_ =	shalt  }
0x64: {  	_ =	shalt  }
0x65: {  	_ =	shalt  }
0x66: {  	_ =	shalt  }
0x67: {  	_ =	shalt  }
0x68: {  	_ =	shalt  }
0x69: {  	_ =	shalt  }
0x6a: {  	_ =	shalt  }
0x6b: {  	_ =	shalt  }
0x6c: {  	_ =	shalt  }
0x6d: {  	_ =	shalt  }
0x6e: {  	_ =	shalt  }
0x6f: {  	_ =	shalt  }
0x70: {  	_ =	shalt  }
0x71: {  	_ =	shalt  }
0x72: {  	_ =	shalt  }
0x73: {  	_ =	shalt  }
0x74: {  	_ =	shalt  }
0x75: {  	_ =	shalt  }
0x76: {  	_ =	shalt  }
0x77: {  	_ =	shalt  }
0x78: {  	_ =	shalt  }
0x79: {  	_ =	shalt  }
0x7a: {  	_ =	shalt  }
0x7b: {  	_ =	shalt  }
0x7c: {  	_ =	shalt  }
0x7d: {  	_ =	shalt  }
0x7e: {  	_ =	shalt  }
0x7f: {  	_ =	shalt  }
0x80: {  	_ =	shalt  }
0x81: {  	_ =	shalt  }
0x82: {  	_ =	shalt  }
0x83: {  	_ =	shalt  }
0x84: {  	_ =	shalt  }
0x85: {  	_ =	shalt  }
0x86: {  	_ =	shalt  }
0x87: {  	_ =	shalt  }
.Lfunc_end0:
.L_simem_size_0:
called_computation_lowered:
.L_overlay_start_0:
0x88: {  	s2 =	sld [smem:$0x3FD9]  }
0x89: {  	s3 =	sld [smem:$0x3FFE];
	_ =	sdelay $0x1  }
0x8a: {  	s1 =	srdreg.scid  }
0x8b: {  	s0 =	sand.u32 $0x1, s1  }
0x8c: {  	s17 =	sshll.u32 s0, $0xA;
	s2 =	sadd.s32 s3, s2  }
0x8d: {  	s2 =	sadd.s32 s2, s17  }
0x8e: {  	[smem:$0x3FC3] =	sst s2  }
0x8f: {  	_ = 	snop  }
0x90: {  	s2 =	sld [smem:$0x3FC7]  }
0x91: {  	s18 =	sld [smem:$0x3FD0];
	(tm) =	ssettm $0x1  }
0x92: {  	s4 =	sld [smem:$0x3FFB];
	_ =	sdelay $0x3  }
0x93: {  	_ =	strace s4  }
0x94: {  	s4 =	sld [smem:$0x3FFC];
	_ =	sdelay $0x3  }
0x95: {  	_ =	strace s4  }
0x96: {  	s4 =	sld [smem:$0x3FFD];
	_ =	sdelay $0x3  }
0x97: {  	_ =	strace s4  }
0x98: {  	_ =	strace $0x8FFFFFFF  }
0x99: {  	s19 =	sld [smem:$0x3FDB];
	_ =	sdelay $0x1  }
0x9a: {  	s5 =	simm.s32 $_scs_section_size  }
0x9b: {  	s6 =	simm.s32 $_size__tile_overlayer_lowered;
	s7 =	simm.s32 $_tile_overlayer_lowered  }
0x9c: {  	s22 =	simm.s32 $0x1BFF;
	s21 =	sshll.u32 s7, $0x1;
	s4 =	sadd.s32 s5, s19  }
0x9d: {  	s8 =	simm.s32 $0x0;
	s20 =	sshll.u32 s6, $0x1;
	s6 =	sadd.s32 s21, s4  }
0x9e: {  	[timem:s8], [sflag:s22] =	dma.local [hbm:s6], s20  }
0x9f: {  	_ =	swait.ge [sflag:s22], s20  }
0xa0: {  	s5 =	ssub.s32 $0x0, s20;
	[sflag:s22] =	ssyncset.done $0x0  }
0xa1: {  	[sflag:s22] =	ssyncadd.s32 s5;
	_ =	sdelay $0x1  }
0xa2: {  	s23 =	simm.s32 $0x1B8B  }
0xa3: {  	_ =	swait.ge [sflag:s23], $0x1  }
0xa4: {  	[sflag:s23] =	ssyncset.done $0x0  }
0xa5: {  	s25 =	simm.s32 $0x1B8E;
	s24 =	sld [smem:$0x3FFE];
	[sflag:s23] =	ssyncadd.s32 $0xFFFFFFFF  }
0xa6: {  	s26 =	simm.s32 $execute0_lowered;
	[smem:$0x3FD2] =	sst s25  }
0xa7: {  	s6 =	sshll.u32 s26, $0x1;
	_ =	strace $0x80000046;
	[dreg:$0x1] =	wrdreg $0xFFFFFFFF  }
0xa8: {  	s28 =	simm.s32 $_size_execute0_lowered;
	s4 =	sadd.s32 s4, s6;
	[dreg:$0x0] =	wrdreg $0x0  }
0xa9: {  	s6 =	sshll.u32 s28, $0x1;
	[dreg:$0x2] =	wrdreg s4  }
0xaa: {  	[dreg:$0x3] =	wrdreg s6  }
0xab: {  	[dreg:$0x4] =	wrdreg $0xC0  }
0xac: {  	_ =	task [dreg:s8], $0x5FFFF  }
0xad: {  	[dreg:$0x1] =	wrdreg $0xFFFFFFFF  }
0xae: {  	[dreg:$0x0] =	wrdreg $0x60  }
0xaf: {  	[dreg:$0x2] =	wrdreg s24  }
0xb0: {  	[dreg:$0x3] =	wrdreg s2  }
0xb1: {  	[dreg:$0x4] =	wrdreg s18  }
0xb2: {  	[dreg:$0x5] =	wrdreg $0x29900  }
0xb3: {  	[dreg:$0x6] =	wrdreg $0x9  }
0xb4: {  	_ =	task.clear_ibuf [dreg:s8], $0x7FFFF;
	_ =	strace $0x90000046  }
0xb5: {  	s29 =	simm.s32 $0x9;
	_ =	strace $0x80000048  }
0xb6: {  	_ =	swait.ge [sflag:s29], $0x1  }
0xb7: {  	[sflag:s29] =	ssyncadd.s32 $0xFFFFFFFF  }
0xb8: {  	_ =	strace $0x90000048  }
0xb9: {  	_ =	sfence  }
0xba: {  	s30 =	sld [smem:$0x0];
	_ =	sdelay $0x2  }
0xbb: {  	s31 =	sshll.u32 s1, $0xD;
	s1 =	sshrl.u32 s1, $0x2  }
0xbc: {  	s3 =	sand.u32 $0x4000, s31;
	s1 =	sadd.s32 s1, s30  }
0xbd: {  	s0 =	sor.u32 s3, s0;
	s1 =	sshll.u32 s1, $0x11  }
0xbe: {  	s0 =	sor.u32 s1, s0  }
0xbf: {  	s0 =	sadd.s32 $0x8F2B, s0  }
0xc0: {  	[sflag:s0] =	ssyncadd.remote.s32 $0x1  }
0xc1: {  	_ =	sfence.sel $0xFFFF  }
0xc2: {  	[dreg:$0x0] =	wrdreg $0xFFFFFFFF;
	(pc) =	sbr.abs _section_cstart, $3  }
0xc3: {  	[dreg:$0x1] =	wrdreg $0xFFFFFFFF  }
0xc4: {  	_ =	task.clear_ibuf [dreg:s8], $0x2FFFF;
	_ =	strace $0x9FFFFFFF  }
0xc5: {  	(tm) =	ssettm $0x7FFFFFFF  }
tec
execute0_lowered:
.L_overlay_start_1:
0x0: {  	(tag) =	ssettag $0x1  }
0x1: {  	s4 =	rddreg [dreg:$0x0]  }
0x2: {  	s6 =	rddreg [dreg:$0x1]  }
0x3: {  	s7 =	rddreg [dreg:$0x2]  }
0x4: {  	s0 =	srdreg.scid;
	s2 =	rddreg [dreg:$0x3]  }
0x5: {  	s3 =	simm.s32 $0x0;
	s5 =	sand.u32 $0x1, s0;
	s0 =	stileid.u32  }
0x6: {  	s13 =	simm.s32 $0x0;
	s1 =	sshll.u32 s5, $0x4;
	s9 =	smul.u32 $0x280, s0  }
0x7: {  	s10 =	smul.u32 $0x2800, s5;
	s5 =	ssub.s32 $0x2, s5;
	s1 =	sor.u32 s0, s1  }
0x8: {  	[smem:$0x7FF] =	sst s3;
	s30 =	sshrl.u32 s5, $0x1;
	s8 =	smul.u32 $0x271, s1  }
0x9: {  	s1 =	rddreg [dreg:$0x4];
	_ =	strace $0x80000047;
	s10 =	sadd.s32 s9, s10  }
0xa: {  	s12 =	ssub.s32 s5, s30;
	s31 =	sshrl.u32 s10, $0x3;
	s10 =	simm.s32 $0x1  }
0xb: {  	s11 =	sadd.s32 s8, s4;
	s4 =	sadd.s32 s9, s2;
	s6 =	sadd.s32 s6, s8  }
0xc: {  	s7 =	sadd.s32 s7, s31;
	s8 =	smax.u32 s12, $0x1;
	s9 =	simm.s32 $0x2710  }
0xd: {  	v0 =	vimm.f32 $0.0e+00;
	s12 =	simm.s32 $0x28;
	s5 =	sadd.s32 $0xC00, s11;
	s11 =	simm.s32 $0x1388  }
.LBB2_1:
0xe: {  	[tilespmem:$0x2710] =	vst v0  }
0xf: {  	[tilespmem:$0x2720] =	vst v0  }
0x10: {  	[tilespmem:$0x2730] =	vst v0  }
0x11: {  	[tilespmem:$0x2740] =	vst v0  }
0x12: {  	[tilespmem:$0x2750] =	vst v0  }
0x13: {  	[tilespmem:$0x2760] =	vst v0  }
0x14: {  	[tilespmem:$0x2770] =	vst v0  }
0x15: {  	[tilespmem:$0x2780] =	vst v0  }
0x16: {  	[tilespmem:$0x2790] =	vst v0  }
0x17: {  	[tilespmem:$0x27A0] =	vst v0  }
0x18: {  	[tilespmem:$0x27B0] =	vst v0  }
0x19: {  	[tilespmem:$0x27C0] =	vst v0  }
0x1a: {  	[tilespmem:$0x27D0] =	vst v0  }
0x1b: {  	[tilespmem:$0x27E0] =	vst v0  }
0x1c: {  	[tilespmem:$0x27F0] =	vst v0  }
0x1d: {  	[tilespmem:$0x2800] =	vst v0  }
0x1e: {  	[tilespmem:$0x2810] =	vst v0  }
0x1f: {  	[tilespmem:$0x2820] =	vst v0  }
0x20: {  	[tilespmem:$0x2830] =	vst v0  }
0x21: {  	[tilespmem:$0x2840] =	vst v0  }
0x22: {  	[tilespmem:$0x2850] =	vst v0  }
0x23: {  	[tilespmem:$0x2860] =	vst v0  }
0x24: {  	[tilespmem:$0x2870] =	vst v0  }
0x25: {  	[tilespmem:$0x2880] =	vst v0  }
0x26: {  	[tilespmem:$0x2890] =	vst v0  }
0x27: {  	[tilespmem:$0x28A0] =	vst v0  }
0x28: {  	[tilespmem:$0x28B0] =	vst v0  }
0x29: {  	[tilespmem:$0x28C0] =	vst v0  }
0x2a: {  	[tilespmem:$0x28D0] =	vst v0  }
0x2b: {  	[tilespmem:$0x28E0] =	vst v0  }
0x2c: {  	[tilespmem:$0x28F0] =	vst v0  }
0x2d: {  	[tilespmem:$0x2900] =	vst v0  }
0x2e: {  	[tilespmem:$0x2910] =	vst v0  }
0x2f: {  	[tilespmem:$0x2920] =	vst v0  }
0x30: {  	[tilespmem:$0x2930] =	vst v0  }
0x31: {  	[tilespmem:$0x2940] =	vst v0  }
0x32: {  	[tilespmem:$0x2950] =	vst v0  }
0x33: {  	[tilespmem:$0x2960] =	vst v0  }
0x34: {  	[tilespmem:$0x2970] =	vst v0  }
0x35: {  	[tilespmem:$0x2980] =	vst v0  }
0x36: {  	[spmem:s4] =	stream.linear.scatter [tilespmem:s9], [sflag:$0x1], $0x280, $0x38;
	[tilespmem:$0x2C10] =	vst v63  }
0x37: {  	_ =	swait.ge [sflag:s10], $0x280  }
0x38: {  	[sflag:s10] =	ssyncset.done $0x0  }
0x39: {  	[sflag:s10] =	ssyncadd.s32 $0xFFFFFD80  }
0x3a: {  	[tilespmem:s3], [sflag:$0x1] =	stream.linear.gather [hbm4b:s5+s3], $0x1388, $0x38;
	[tilespmem:$0x2C10] =	vst v63  }
0x3b: {  	_ =	swait.ge [sflag:s10], $0x1388  }
0x3c: {  	[sflag:s10] =	ssyncset.done $0x0  }
0x3d: {  	[sflag:s10] =	ssyncadd.s32 $0xFFFFEC78  }
0x3e: {  	[tilespmem:s11], [sflag:$0x1] =	stream.linear.gather [hbm4b:s6+s3], $0x1388, $0x38;
	[tilespmem:$0x2C10] =	vst v63  }
0x3f: {  	_ =	swait.ge [sflag:s10], $0x1388  }
0x40: {  	[sflag:s10] =	ssyncset.done $0x0  }
0x41: {  	[sflag:s10] =	ssyncadd.s32 $0xFFFFEC78  }
0x42: {  	s14 =	simm.s32 $0x0;
	s15 =	simm.s32 $0x1388;
	[bflag:$0x0] =	sbarrier.arrive $0xFFFF  }
0x43: {  	[spmem:s2] =	stream.indirect.scatter.add.f32 [tilespmem:s15], [sflag:$0x1], $0x1, s14, s12, $0xb8;
	[tilespmem:$0x2C10] =	vst v63  }
0x44: {  	s14 =	simm.s32 $0xA0;
	_ =	swait.ge [sflag:s10], $0x28  }
.LBB2_2:
0x45: {  	s15 =	sshra.s32 s14, $0x2;
	[sflag:s10] =	ssyncset.done $0x0;
	p0 =	sne.s32 s14, $0x4D80  }
.Ltmp0:
0x46: {  	s16 =	sadd.s32 $0x1388, s15;
	[sflag:s10] =	ssyncadd.s32 $0xFFFFFFD8;
	(pc) =	sbr.rel @p0 .LBB2_2-.Ltmp0, $3  }
0x47: {  	[spmem:s2] =	stream.indirect.scatter.add.f32 [tilespmem:s16], [sflag:$0x1], $0x1, s15, s12, $0xb8;
	[tilespmem:$0x2C10] =	vst v63  }
0x48: {  	s14 =	sadd.s32 $0xA0, s14;
	_ =	sdelay $0x1  }
0x49: {  	_ =	swait.ge [sflag:s10], $0x28  }
0x4a: {  	[sflag:s10] =	ssyncset.done $0x0  }
0x4b: {  	[sflag:s10] =	ssyncadd.s32 $0xFFFFFFD8  }
0x4c: {  	[bflag:$0x0] =	sbarrier.arrive $0xFFFF  }
0x4d: {  	[tilespmem:s9], [sflag:$0x1] =	stream.linear.gather [spmem:s4], $0x280, $0x38;
	[tilespmem:$0x2C10] =	vst v63  }
0x4e: {  	s13 =	sadd.s32 $0x1, s13;
	_ =	swait.ge [sflag:s10], $0x280  }
0x4f: {  	p0 =	sne.s32 s13, s8;
	[sflag:s10] =	ssyncset.done $0x0  }
.Ltmp1:
0x50: {  	[sflag:s10] =	ssyncadd.s32 $0xFFFFFD80;
	(pc) =	sbr.rel @p0 .LBB2_1-.Ltmp1, $4  }
0x51: {  	[hbm4b:s7+s3] =	stream.linear.scatter [tilespmem:s9], [sflag:$0x1], $0x280, $0x38;
	[tilespmem:$0x2C10] =	vst v63  }
0x52: {  	_ =	swait.ge [sflag:s10], $0x280  }
0x53: {  	[sflag:s10] =	ssyncset.done $0x0  }
0x54: {  	[sflag:s10] =	ssyncadd.s32 $0xFFFFFD80  }
0x55: {  	_ =	sfence.sel $0x180000  }
0x56: {  	[bflag:$0x0] =	sbarrier.arrive $0xFFFF  }
0x57: {  	p0 =	sne.s32 s0, $0x0;
	_ =	strace $0x90000047  }
0x58: {  	s0 =	sadd.s32 @!p0 $0x100000, s1;
	[bflag:$0x2] =	sbarrier.arrive $0xFFFF  }
0x59: {  	[sflag:s0] =	ssyncadd.tile.s32 @!p0 $0x1;
	_ =	shalt  }
.Lfunc_end2:
_tile_overlayer_lowered:
.L_overlay_start_2:
0x5a: {  	(tag) =	ssettag $0x2  }
0x5b: {  	s0 =	rddreg [dreg:$0x0];
	s2 =	stileid.u32  }
0x5c: {  	s1 =	rddreg [dreg:$0x1];
	p0 =	sne.s32 s2, $0x0  }
0x5d: {  	s3 =	rddreg [dreg:$0x2];
	[bflag:$0x3] =	sbarrier.arrive $0xFFFF;
	s2 =	simm.s32 @!p0 $0x1C01  }
0x5e: {  	[timem:s3], [sflag:s2] =	dma.local @!p0 [hbm:s0], s1  }
0x5f: {  	s0 =	simm.s32 @!p0 $0x1  }
0x60: {  	_ =	swait.ge @!p0 [sflag:s0], s1  }
0x61: {  	s1 =	ssub.s32 @!p0 $0x0, s1;
	[sflag:s0] =	ssyncset.done @!p0 $0x0  }
0x62: {  	[sflag:s0] =	ssyncadd.s32 @!p0 s1  }
0x63: {  	[bflag:$0x3] =	sbarrier.arrive $0xFFFF  }
0x64: {  	_ =	shalt  }

// kernel: kernel.8.cloned.1.call-start
scs
__scs_entry_jumppad:
0x0: {  	(pc) =	sbr.rel $0x88, $3  }
0x1: {  	(tag) =	ssettag $0x0;
	lr =	simm.s32 $0x1  }
0x2: {  	[smem:$0x3F9C] =	sst lr;
	_ =	strace $0xD0000000  }
0x3: {  	_ = 	snop  }
0x4: {  	_ = 	snop  }
0x5: {  	_ = 	snop  }
0x6: {  	_ = 	snop  }
0x7: {  	_ = 	snop  }
__scs_overlays_trampoline_lowered:
0x8: {  	[smem:$0x3FAB] =	sst s0  }
0x9: {  	[smem:$0x3FAC] =	sst s1  }
0xa: {  	[smem:$0x3FAD] =	sst s2  }
0xb: {  	[smem:$0x3FAE] =	sst s3  }
0xc: {  	[smem:$0x3FAF] =	sst s4  }
0xd: {  	[smem:$0x3FB0] =	sst s5  }
0xe: {  	[smem:$0x3FB1] =	sst s6  }
0xf: {  	[smem:$0x3FB2] =	sst s7  }
0x10: {  	[smem:$0x3FB3] =	sst s8  }
0x11: {  	[smem:$0x3FB4] =	sst s9;
	s0 =	simm.s32 @!p0 $0x0  }
0x12: {  	s1 =	sld [smem:$0x3F9A];
	s0 =	simm.s32 @p0 $0x1  }
0x13: {  	[smem:$0x3FB5] =	sst s0;
	s0 =	simm.s32 @!p1 $0x0  }
0x14: {  	s2 =	sld [smem:$0x3F99];
	s0 =	simm.s32 @p1 $0x1  }
0x15: {  	[smem:$0x3FB6] =	sst s0;
	s0 =	simm.s32 @!p2 $0x0  }
0x16: {  	s3 =	sld [smem:$0x3FDB];
	s0 =	simm.s32 @p2 $0x1  }
0x17: {  	s4 =	simm.s32 $0x1BF5;
	[smem:$0x3FB8] =	sst s0  }
0x18: {  	s0 =	sld [smem:$0x3F9B];
	_ =	swait.ge [sflag:s4], $0x0  }
0x19: {  	s7 =	sld [smem:$0x3F9C]  }
0x1a: {  	s8 =	sadd.s32 $0xFFFFE003, lr  }
0x1b: {  	s9 =	sadd.s32 $0xFFFFFEF7, lr;
	s5 =	simm.s32 $0xFFFFFFFF;
	p2 =	slt.u32 s8, $0xFFFFF086  }
0x1c: {  	p1 =	slt.u32 s9, $0xF7A;
	s5 =	simm.s32 @!p2 $0x0  }
0x1d: {  	s5 =	simm.s32 @p1 $0x1;
	p0 =	seq.s32 s7, s2  }
0x1e: {  	s7 =	smul.u32 @!p0 $0xF7A, s2;
	p2 =	seq.s32 @!p0 s5, $0x0  }
0x1f: {  	s9 =	smul.u32 $0xF7A, s1;
	s8 =	simm.s32 @!p0 $0x1BF5;
	p2 =	por !p2, p0  }
0x20: {  	[sflag:s8] =	ssyncset.s32 @!p0 $0xFFFFF086;
	s6 =	sadd.s32 @!p0 s3, s7;
	s7 =	simm.s32 @!p0 $0x108  }
0x21: {  	s3 =	sadd.s32 s3, s9;
	s6 =	sadd.s32 @!p0 $0x88, s6;
	s7 =	simm.s32 @p2 $0x1082  }
0x22: {  	[simem:s7], [sflag:s8] =	dma.local @!p0 [hbm:s6], $0xF7A  }
0x23: {  	s9 =	sor.u32 $0xD0000000, s2;
	s6 =	simm.s32 $0x108;
	_ =	swait.ge @!p0 [sflag:s8], $0x0  }
0x24: {  	s3 =	sadd.s32 $0x88, s3;
	s6 =	simm.s32 @!p1 $0x1082;
	[sflag:s4] =	ssyncset.s32 $0xFFFFF086  }
0x25: {  	[simem:s6], [sflag:s4] =	dma.local [hbm:s3], $0xF7A  }
0x26: {  	[smem:$0x3F9C] =	sst s1;
	(tag) =	ssettag s2;
	_ =	strace s9  }
0x27: {  	s1 =	sld [smem:$0x3FAC]  }
0x28: {  	s2 =	sld [smem:$0x3FAD]  }
0x29: {  	s4 =	sld [smem:$0x3FAF]  }
0x2a: {  	p0 =	seq.s32 s5, $0x0;
	s5 =	sld [smem:$0x3FB0]  }
0x2b: {  	s6 =	sld [smem:$0x3FB1]  }
0x2c: {  	s7 =	sld [smem:$0x3FB2]  }
0x2d: {  	s3 =	simm.s32 $0x108;
	s8 =	sld [smem:$0x3FB3]  }
0x2e: {  	s3 =	simm.s32 @!p0 $0x1082;
	s9 =	sld [smem:$0x3FB4]  }
0x2f: {  	lr =	sadd.s32 s0, s3;
	s0 =	sld [smem:$0x3FAB]  }
0x30: {  	s3 =	sld [smem:$0x3FAE]  }
0x31: {  	[smem:$0x3FB7] =	sst s10  }
0x32: {  	s10 =	sld [smem:$0x3FB5];
	_ =	sdelay $0x3  }
0x33: {  	p0 =	seq.s32 s10, $0x1;
	s10 =	sld [smem:$0x3FB7];
	_ =	sdelay $0x3  }
0x34: {  	[smem:$0x3FB7] =	sst s10  }
0x35: {  	s10 =	sld [smem:$0x3FB6];
	_ =	sdelay $0x3  }
0x36: {  	p1 =	seq.s32 s10, $0x1;
	s10 =	sld [smem:$0x3FB7];
	_ =	sdelay $0x3  }
0x37: {  	[smem:$0x3FB7] =	sst s10  }
0x38: {  	s10 =	sld [smem:$0x3FB8]  }
0x39: {  	_ = 	snop;
	(pc) =	sbr.ind lr, $3  }
0x3a: {  	_ = 	snop  }
0x3b: {  	_ = 	snop  }
0x3c: {  	p2 =	seq.s32 s10, $0x1;
	s10 =	sld [smem:$0x3FB7]  }
0x3d: {  	_ =	shalt  }
0x3e: {  	_ =	shalt  }
0x3f: {  	_ =	shalt  }
0x40: {  	_ =	shalt  }
0x41: {  	_ =	shalt  }
0x42: {  	_ =	shalt  }
0x43: {  	_ =	shalt  }
0x44: {  	_ =	shalt  }
0x45: {  	_ =	shalt  }
0x46: {  	_ =	shalt  }
0x47: {  	_ =	shalt  }
0x48: {  	_ =	shalt  }
0x49: {  	_ =	shalt  }
0x4a: {  	_ =	shalt  }
0x4b: {  	_ =	shalt  }
0x4c: {  	_ =	shalt  }
0x4d: {  	_ =	shalt  }
0x4e: {  	_ =	shalt  }
0x4f: {  	_ =	shalt  }
0x50: {  	_ =	shalt  }
0x51: {  	_ =	shalt  }
0x52: {  	_ =	shalt  }
0x53: {  	_ =	shalt  }
0x54: {  	_ =	shalt  }
0x55: {  	_ =	shalt  }
0x56: {  	_ =	shalt  }
0x57: {  	_ =	shalt  }
0x58: {  	_ =	shalt  }
0x59: {  	_ =	shalt  }
0x5a: {  	_ =	shalt  }
0x5b: {  	_ =	shalt  }
0x5c: {  	_ =	shalt  }
0x5d: {  	_ =	shalt  }
0x5e: {  	_ =	shalt  }
0x5f: {  	_ =	shalt  }
0x60: {  	_ =	shalt  }
0x61: {  	_ =	shalt  }
0x62: {  	_ =	shalt  }
0x63: {  	_ =	shalt  }
0x64: {  	_ =	shalt  }
0x65: {  	_ =	shalt  }
0x66: {  	_ =	shalt  }
0x67: {  	_ =	shalt  }
0x68: {  	_ =	shalt  }
0x69: {  	_ =	shalt  }
0x6a: {  	_ =	shalt  }
0x6b: {  	_ =	shalt  }
0x6c: {  	_ =	shalt  }
0x6d: {  	_ =	shalt  }
0x6e: {  	_ =	shalt  }
0x6f: {  	_ =	shalt  }
0x70: {  	_ =	shalt  }
0x71: {  	_ =	shalt  }
0x72: {  	_ =	shalt  }
0x73: {  	_ =	shalt  }
0x74: {  	_ =	shalt  }
0x75: {  	_ =	shalt  }
0x76: {  	_ =	shalt  }
0x77: {  	_ =	shalt  }
0x78: {  	_ =	shalt  }
0x79: {  	_ =	shalt  }
0x7a: {  	_ =	shalt  }
0x7b: {  	_ =	shalt  }
0x7c: {  	_ =	shalt  }
0x7d: {  	_ =	shalt  }
0x7e: {  	_ =	shalt  }
0x7f: {  	_ =	shalt  }
0x80: {  	_ =	shalt  }
0x81: {  	_ =	shalt  }
0x82: {  	_ =	shalt  }
0x83: {  	_ =	shalt  }
0x84: {  	_ =	shalt  }
0x85: {  	_ =	shalt  }
0x86: {  	_ =	shalt  }
0x87: {  	_ =	shalt  }
.Lfunc_end0:
.L_simem_size_0:
called_computation.1_lowered:
.L_overlay_start_0:
0x88: {  	s2 =	sld [smem:$0x3FD9]  }
0x89: {  	s3 =	sld [smem:$0x3FFE];
	_ =	sdelay $0x1  }
0x8a: {  	s1 =	srdreg.scid  }
0x8b: {  	s0 =	sand.u32 $0x1, s1  }
0x8c: {  	s17 =	sshll.u32 s0, $0xA;
	s2 =	sadd.s32 s3, s2  }
0x8d: {  	s2 =	sadd.s32 s2, s17  }
0x8e: {  	[smem:$0x3FC3] =	sst s2  }
0x8f: {  	_ = 	snop  }
0x90: {  	s2 =	sld [smem:$0x3FC7]  }
0x91: {  	s18 =	sld [smem:$0x3FD0];
	(tm) =	ssettm $0x1  }
0x92: {  	s4 =	sld [smem:$0x3FFB];
	_ =	sdelay $0x3  }
0x93: {  	_ =	strace s4  }
0x94: {  	s4 =	sld [smem:$0x3FFC];
	_ =	sdelay $0x3  }
0x95: {  	_ =	strace s4  }
0x96: {  	s4 =	sld [smem:$0x3FFD];
	_ =	sdelay $0x3  }
0x97: {  	_ =	strace s4  }
0x98: {  	_ =	strace $0x8FFFFFFF  }
0x99: {  	s19 =	sld [smem:$0x3FDB];
	_ =	sdelay $0x1  }
0x9a: {  	s5 =	simm.s32 $_scs_section_size  }
0x9b: {  	s6 =	simm.s32 $_size__tile_overlayer_lowered;
	s7 =	simm.s32 $_tile_overlayer_lowered  }
0x9c: {  	s22 =	simm.s32 $0x1BFF;
	s21 =	sshll.u32 s7, $0x1;
	s4 =	sadd.s32 s5, s19  }
0x9d: {  	s8 =	simm.s32 $0x0;
	s20 =	sshll.u32 s6, $0x1;
	s6 =	sadd.s32 s21, s4  }
0x9e: {  	[timem:s8], [sflag:s22] =	dma.local [hbm:s6], s20  }
0x9f: {  	_ =	swait.ge [sflag:s22], s20  }
0xa0: {  	s5 =	ssub.s32 $0x0, s20;
	[sflag:s22] =	ssyncset.done $0x0  }
0xa1: {  	[sflag:s22] =	ssyncadd.s32 s5;
	_ =	sdelay $0x1  }
0xa2: {  	s23 =	simm.s32 $0x1B8B  }
0xa3: {  	_ =	swait.ge [sflag:s23], $0x1  }
0xa4: {  	[sflag:s23] =	ssyncset.done $0x0  }
0xa5: {  	s25 =	simm.s32 $0x1B8E;
	s24 =	sld [smem:$0x3FFE];
	[sflag:s23] =	ssyncadd.s32 $0xFFFFFFFF  }
0xa6: {  	s26 =	simm.s32 $execute0_lowered;
	[smem:$0x3FD2] =	sst s25  }
0xa7: {  	s6 =	sshll.u32 s26, $0x1;
	_ =	strace $0x80000049;
	[dreg:$0x1] =	wrdreg $0xFFFFFFFF  }
0xa8: {  	s28 =	simm.s32 $_size_execute0_lowered;
	s4 =	sadd.s32 s4, s6;
	[dreg:$0x0] =	wrdreg $0x0  }
0xa9: {  	s6 =	sshll.u32 s28, $0x1;
	[dreg:$0x2] =	wrdreg s4  }
0xaa: {  	[dreg:$0x3] =	wrdreg s6  }
0xab: {  	[dreg:$0x4] =	wrdreg $0xC0  }
0xac: {  	_ =	task [dreg:s8], $0x5FFFF  }
0xad: {  	[dreg:$0x1] =	wrdreg $0xFFFFFFFF  }
0xae: {  	[dreg:$0x0] =	wrdreg $0x60  }
0xaf: {  	[dreg:$0x2] =	wrdreg s24  }
0xb0: {  	[dreg:$0x3] =	wrdreg s2  }
0xb1: {  	[dreg:$0x4] =	wrdreg s18  }
0xb2: {  	[dreg:$0x5] =	wrdreg $0x7AD00  }
0xb3: {  	[dreg:$0x6] =	wrdreg $0x9  }
0xb4: {  	_ =	task.clear_ibuf [dreg:s8], $0x7FFFF;
	_ =	strace $0x90000049  }
0xb5: {  	s29 =	simm.s32 $0x9;
	_ =	strace $0x8000004B  }
0xb6: {  	_ =	swait.ge [sflag:s29], $0x1  }
0xb7: {  	[sflag:s29] =	ssyncadd.s32 $0xFFFFFFFF  }
0xb8: {  	_ =	strace $0x9000004B  }
0xb9: {  	_ =	sfence  }
0xba: {  	s30 =	sld [smem:$0x0];
	_ =	sdelay $0x2  }
0xbb: {  	s31 =	sshll.u32 s1, $0xD;
	s1 =	sshrl.u32 s1, $0x2  }
0xbc: {  	s3 =	sand.u32 $0x4000, s31;
	s1 =	sadd.s32 s1, s30  }
0xbd: {  	s0 =	sor.u32 s3, s0;
	s1 =	sshll.u32 s1, $0x11  }
0xbe: {  	s0 =	sor.u32 s1, s0  }
0xbf: {  	s0 =	sadd.s32 $0x8F2B, s0  }
0xc0: {  	[sflag:s0] =	ssyncadd.remote.s32 $0x1  }
0xc1: {  	_ =	sfence.sel $0xFFFF  }
0xc2: {  	[dreg:$0x0] =	wrdreg $0xFFFFFFFF;
	(pc) =	sbr.abs _section_cstart, $3  }
0xc3: {  	[dreg:$0x1] =	wrdreg $0xFFFFFFFF  }
0xc4: {  	_ =	task.clear_ibuf [dreg:s8], $0x2FFFF;
	_ =	strace $0x9FFFFFFF  }
0xc5: {  	(tm) =	ssettm $0x7FFFFFFF  }
tec
execute0_lowered:
.L_overlay_start_1:
0x0: {  	(tag) =	ssettag $0x1  }
0x1: {  	s0 =	rddreg [dreg:$0x0]  }
0x2: {  	s1 =	rddreg [dreg:$0x1]  }
0x3: {  	s2 =	rddreg [dreg:$0x2]  }
0x4: {  	s4 =	rddreg [dreg:$0x3];
	s5 =	simm.s32 $0x0;
	s3 =	srdreg.scid  }
0x5: {  	s13 =	stileid.u32;
	s18 =	simm.s32 $0xB;
	s19 =	simm.s32 $0x3C0  }
0x6: {  	s28 =	simm.s32 $0x320;
	s31 =	simm.s32 $0xA;
	s21 =	simm.s32 $0x0  }
0x7: {  	[smem:$0x7FF] =	sst s5;
	s3 =	sand.u32 $0x1, s3;
	s8 =	smul.u32 $0x13880, s13  }
0x8: {  	s6 =	sadd.s32 $0x5C00, s0;
	s7 =	sadd.s32 $0xC00, s0;
	s10 =	smul.u32 $0x27100, s13  }
0x9: {  	s11 =	sadd.s32 $0x58E00, s0;
	s24 =	smul.u32 $0x2710, s13;
	s25 =	sshll.u32 s13, $0x6  }
0xa: {  	_ =	strace $0x8000004A;
	s9 =	smul.u32 $0x138800, s3;
	[dreg:$0x5] =	wrdreg s11  }
0xb: {  	s22 =	sshll.u32 s3, $0x7;
	s23 =	ssub.s32 $0x2, s3;
	s3 =	smul.u32 $0x2710, s3  }
0xc: {  	s10 =	sor.u32 s22, s10;
	s12 =	sshrl.u32 s23, $0x1;
	s26 =	sshrl.u32 s24, $0x3  }
0xd: {  	s14 =	sadd.s32 $0x50, s24;
	s22 =	simm.s32 $0x1;
	s24 =	simm.s32 $0x5  }
0xe: {  	s9 =	sadd.s32 s8, s9;
	s10 =	sshrl.u32 s10, $0x3;
	s11 =	ssub.s32 s23, s12  }
0xf: {  	s8 =	sadd.s32 s8, s4;
	s29 =	sadd.s32 s6, s26;
	s30 =	sadd.s32 s7, s26  }
0x10: {  	s23 =	simm.s32 $0x3;
	s9 =	sshrl.u32 s9, $0x3;
	[dreg:$0x7] =	wrdreg s29  }
0x11: {  	[dreg:$0x8] =	wrdreg s30;
	s16 =	smax.u32 s11, $0x1;
	s9 =	sadd.s32 s9, s0  }
0x12: {  	s17 =	sshrl.u32 s8, $0x3;
	s0 =	sadd.s32 s10, s0;
	s9 =	sadd.s32 $0xAC00, s9  }
0x13: {  	s10 =	sor.u32 $0x1C0B, s25;
	s0 =	sadd.s32 $0x59400, s0;
	[dreg:$0x6] =	wrdreg s9  }
0x14: {  	s25 =	simm.s32 $0x50;
	s9 =	sadd.s32 s1, s26;
	[dreg:$0xa] =	wrdreg s0  }
0x15: {  	v0 =	vmov s3;
	s26 =	simm.s32 $0x7;
	s0 =	simm.s32 $0x9;
	[dreg:$0x9] =	wrdreg s9  }
.LBB2_1:
0x16: {  	s3 =	rddreg [dreg:$0x6]  }
0x17: {  	[spmem:s17], [sflag:s10] =	dma.local [hbm:s3], $0x2710  }
0x18: {  	_ =	swait.ge [sflag:s18], $0x2710  }
0x19: {  	[sflag:s18] =	ssyncset.done $0x0  }
0x1a: {  	s12 =	rddreg [dreg:$0x5];
	[sflag:s18] =	ssyncadd.s32 $0xFFFFD8F0  }
0x1b: {  	[tilespmem:s19], [sflag:$0xB] =	stream.linear.gather [hbm4b:s12+s5], $0x2710, $0x38;
	[tilespmem:$0x1B350] =	vst v63  }
0x1c: {  	_ =	swait.ge [sflag:s18], $0x2710  }
0x1d: {  	[sflag:s18] =	ssyncset.done $0x0  }
0x1e: {  	[sflag:s18] =	ssyncadd.s32 $0xFFFFD8F0  }
0x1f: {  	[bflag:$0x0] =	sbarrier.arrive $0xFFFF  }
0x20: {  	s13 =	rddreg [dreg:$0x7]  }
0x21: {  	[tilespmem:s5], [sflag:$0x1] =	stream.linear.gather [hbm4b:s13+s5], $0x50, $0x38;
	[tilespmem:$0x1B350] =	vst v63  }
0x22: {  	s8 =	simm.s32 $0xA0;
	s15 =	rddreg [dreg:$0x8]  }
0x23: {  	[tilespmem:s8], [sflag:$0x3] =	stream.linear.gather [hbm4b:s15+s5], $0x50, $0x38;
	[tilespmem:$0x1B350] =	vst v63  }
0x24: {  	s30 =	simm.s32 $0x140;
	s20 =	rddreg [dreg:$0x9]  }
0x25: {  	[tilespmem:s30], [sflag:$0x5] =	stream.linear.gather [hbm4b:s20+s5], $0x50, $0x38;
	[tilespmem:$0x1B350] =	vst v63  }
0x26: {  	_ =	swait.ge [sflag:s22], $0x50  }
0x27: {  	[sflag:s22] =	ssyncset.done $0x0  }
0x28: {  	[sflag:s22] =	ssyncadd.s32 $0xFFFFFFB0  }
0x29: {  	_ =	swait.ge [sflag:s23], $0x50  }
.Ltmp0:
0x2a: {  	[sflag:s23] =	ssyncset.done $0x0;
	(pc) =	sbr.rel .LBB2_2-.Ltmp0, $4  }
0x2b: {  	[sflag:s23] =	ssyncadd.s32 $0xFFFFFFB0  }
0x2c: {  	_ =	swait.ge [sflag:s24], $0x50  }
0x2d: {  	[sflag:s24] =	ssyncset.done $0x0  }
0x2e: {  	p0 =	por $0x1, $0x1;
	s29 =	simm.s32 $0x0;
	[sflag:s24] =	ssyncadd.s32 $0xFFFFFFB0  }
.LBB2_11:
0x2f: {  	s29 =	sadd.s32 $0x1, s29  }
0x30: {  	p1 =	sne.s32 s29, $0x7D  }
.Ltmp1:
0x31: {  	_ = 	snop;
	(pc) =	sbr.rel @!p1 .LBB2_12-.Ltmp1, $2  }
0x32: {  	_ =	sdelay $0x2  }
0x33: {  	p0 =	por !p0, !p0  }
.LBB2_2:
0x34: {  	p1 =	seq.s32 s29, $0x7C  }
0x35: {  	s8 =	smul.u32 @!p1 $0x50, s29  }
0x36: {  	s3 =	sand.u32 $0x1, s29  }
0x37: {  	s30 =	sxor.u32 $0x1, s3;
	s8 =	sadd.s32 @!p1 s8, s14  }
0x38: {  	s13 =	simm.s32 @!p1 $0x0;
	s9 =	smul.u32 @!p1 $0x50, s30;
	s8 =	sshrl.u32 @!p1 s8, $0x3  }
0x39: {  	p2 =	slt.u32 @!p1 s29, $0x2;
	s11 =	sadd.s32 @!p1 $0x1, s30;
	s12 =	sadd.s32 @!p1 s6, s8  }
0x3a: {  	[tilespmem:s9], [sflag:s11] =	stream.linear.gather @!p1 [hbm4b:s12+s13], $0x50, $0x38;
	[tilespmem:$0x1B350] =	vst v63  }
0x3b: {  	s20 =	sadd.s32 @!p1 s7, s8;
	s11 =	sadd.s32 @!p1 $0xA0, s9;
	s12 =	sadd.s32 @!p1 $0x3, s30  }
0x3c: {  	[tilespmem:s11], [sflag:s12] =	stream.linear.gather @!p1 [hbm4b:s20+s13], $0x50, $0x38;
	[tilespmem:$0x1B350] =	vst v63  }
0x3d: {  	s8 =	sadd.s32 @!p1 s1, s8;
	s9 =	sadd.s32 @!p1 $0x140, s9;
	s11 =	sadd.s32 @!p1 $0x5, s30  }
0x3e: {  	[tilespmem:s9], [sflag:s11] =	stream.linear.gather @!p1 [hbm4b:s8+s13], $0x50, $0x38;
	[tilespmem:$0x1B350] =	vst v63  }
0x3f: {  	p1 =	por p1, !p2  }
.Ltmp2:
0x40: {  	_ = 	snop;
	(pc) =	sbr.rel @!p1 .LBB2_5-.Ltmp2, $1  }
0x41: {  	_ =	sdelay $0x3  }
.Ltmp3:
0x42: {  	(pc) =	sbr.rel .LBB2_4-.Ltmp3, $4  }
0x43: {  	s8 =	sadd.s32 $0x9, s3  }
0x44: {  	_ =	swait.ge [sflag:s8], $0x2800  }
0x45: {  	[sflag:s8] =	ssyncset.done $0x0  }
0x46: {  	[sflag:s8] =	ssyncadd.s32 $0xFFFFD800  }
.LBB2_5:
0x47: {  	p1 =	seq.s32 s29, $0x0  }
.Ltmp4:
0x48: {  	_ = 	snop;
	(pc) =	sbr.rel @p1 .LBB2_6-.Ltmp4, $1  }
0x49: {  	_ =	sdelay $0x3  }
.LBB2_4:
0x4a: {  	s8 =	sadd.s32 $0x1, s3  }
0x4b: {  	_ =	swait.ge [sflag:s8], $0x50  }
0x4c: {  	[sflag:s8] =	ssyncset.done $0x0  }
0x4d: {  	s15 =	sadd.s32 $0x3, s3;
	[sflag:s8] =	ssyncadd.s32 $0xFFFFFFB0  }
0x4e: {  	_ =	swait.ge [sflag:s15], $0x50  }
0x4f: {  	[sflag:s15] =	ssyncset.done $0x0  }
0x50: {  	s20 =	sadd.s32 $0x5, s3;
	[sflag:s15] =	ssyncadd.s32 $0xFFFFFFB0  }
0x51: {  	_ =	swait.ge [sflag:s20], $0x50  }
0x52: {  	[sflag:s20] =	ssyncset.done $0x0  }
0x53: {  	p1 =	por $0x0, $0x0;
	[sflag:s20] =	ssyncadd.s32 $0xFFFFFFB0  }
.LBB2_7:
0x54: {  	s8 =	smul.u32 $0x50, s3;
	_ =	sdelay $0x1  }
0x55: {  	v1 =	vld [tilespmem:s8+$0x0];
	_ =	sdelay $0x1  }
0x56: {  	v2 =	vld [tilespmem:s8+$0xA0];
	_ =	sdelay $0x4  }
0x57: {  	v3 =	vld [tilespmem:s8+$0x140]  }
0x58: {  	v4 =	vld.idx.msk [tilespmem:v1+s19+$0x0], $0xffff  }
0x59: {  	v6 =	vld [tilespmem:s8+$0x10]  }
0x5a: {  	v5 =	vld.idx.msk [tilespmem:v2+s19+$0x0], $0xffff;
	_ =	sdelay $0x1  }
0x5b: {  	v58 =	vld [tilespmem:s8+$0xB0]  }
0x5c: {  	v3 =	vmul.f32 v4, v3;
	_ =	sdelay $0x1  }
0x5d: {  	v1 =	vadd.s32 v0, v1;
	[tilespmem:s8+$0x280] =	vst v2;
	v3 =	vmul.f32 v5, v3  }
0x5e: {  	[tilespmem:s8+$0x1E0] =	vst v1  }
0x5f: {  	v1 =	vld [tilespmem:s8+$0x150];
	[tilespmem:s8+$0x320] =	vst v3  }
0x60: {  	v2 =	vld.idx.msk [tilespmem:v6+s19+$0x0], $0xffff;
	_ =	sdelay $0x1  }
0x61: {  	v3 =	vld.idx.msk [tilespmem:v58+s19+$0x0], $0xffff  }
0x62: {  	v59 =	vld [tilespmem:s8+$0x20];
	_ =	sdelay $0x1  }
0x63: {  	v1 =	vmul.f32 v2, v1;
	v2 =	vld [tilespmem:s8+$0xC0];
	_ =	sdelay $0x1  }
0x64: {  	v1 =	vmul.f32 v3, v1  }
0x65: {  	[tilespmem:s8+$0x290] =	vst v58  }
0x66: {  	[tilespmem:s8+$0x330] =	vst v1;
	v1 =	vadd.s32 v0, v6  }
0x67: {  	[tilespmem:s8+$0x1F0] =	vst v1;
	v1 =	vld [tilespmem:s8+$0x160]  }
0x68: {  	v3 =	vld.idx.msk [tilespmem:v59+s19+$0x0], $0xffff;
	_ =	sdelay $0x1  }
0x69: {  	v4 =	vld.idx.msk [tilespmem:v2+s19+$0x0], $0xffff  }
0x6a: {  	v60 =	vld [tilespmem:s8+$0x30];
	_ =	sdelay $0x1  }
0x6b: {  	v1 =	vmul.f32 v3, v1;
	v3 =	vld [tilespmem:s8+$0xD0];
	_ =	sdelay $0x1  }
0x6c: {  	v1 =	vmul.f32 v4, v1  }
0x6d: {  	[tilespmem:s8+$0x2A0] =	vst v2  }
0x6e: {  	[tilespmem:s8+$0x340] =	vst v1;
	v1 =	vadd.s32 v0, v59  }
0x6f: {  	[tilespmem:s8+$0x200] =	vst v1;
	v1 =	vld [tilespmem:s8+$0x170]  }
0x70: {  	v2 =	vld.idx.msk [tilespmem:v60+s19+$0x0], $0xffff;
	_ =	sdelay $0x1  }
0x71: {  	v61 =	vld.idx.msk [tilespmem:v3+s19+$0x0], $0xffff  }
0x72: {  	v62 =	vld [tilespmem:s8+$0x40];
	_ =	sdelay $0x1  }
0x73: {  	v1 =	vmul.f32 v2, v1;
	v2 =	vld [tilespmem:s8+$0xE0];
	_ =	sdelay $0x1  }
0x74: {  	v1 =	vmul.f32 v61, v1  }
0x75: {  	[tilespmem:s8+$0x2B0] =	vst v3  }
0x76: {  	[tilespmem:s8+$0x350] =	vst v1;
	v1 =	vadd.s32 v0, v60  }
0x77: {  	[tilespmem:s8+$0x210] =	vst v1;
	v1 =	vld [tilespmem:s8+$0x180]  }
0x78: {  	v3 =	vld.idx.msk [tilespmem:v62+s19+$0x0], $0xffff;
	_ =	sdelay $0x1  }
0x79: {  	v63 =	vld.idx.msk [tilespmem:v2+s19+$0x0], $0xffff;
	_ =	sdelay $0x2  }
0x7a: {  	v1 =	vmul.f32 v3, v1  }
0x7b: {  	s9 =	smul.u32 $0xA000, s3  }
.Ltmp5:
0x7c: {  	v1 =	vmul.f32 v63, v1;
	(pc) =	sbr.rel @p1 .LBB2_11-.Ltmp5, $4  }
0x7d: {  	[tilespmem:s8+$0x2C0] =	vst v2  }
0x7e: {  	s9 =	sshrl.u32 s9, $0x2;
	[tilespmem:s8+$0x360] =	vst v1;
	v1 =	vadd.s32 v0, v62  }
0x7f: {  	s20 =	sadd.s32 $0x7, s3;
	s9 =	sadd.s32 $0x2AD0, s9;
	[tilespmem:s8+$0x220] =	vst v1;
	s8 =	sadd.s32 $0x1E0, s8  }
0x80: {  	[tilespmem:s9], [sflag:s20] =	stream.indirect.gather [hbm4b:s2+s25], $0x80, s8, s25, $0xb8;
	[tilespmem:$0x1B350] =	vst v63  }
0x81: {  	s3 =	simm.s32 $0x0  }
0x82: {  	v1 =	vmov s3;
	s3 =	simm.s32 $0x1  }
0x83: {  	s3 =	simm.s32 @!p0 $0x0  }
0x84: {  	s9 =	simm.s32 $0x2;
	s8 =	sadd.s32 $0x7, s30;
	s11 =	smul.u32 $0xA000, s3  }
0x85: {  	v2 =	vmov s9;
	_ =	swait.ge [sflag:s8], $0x2800;
	v1 =	vand.u32 $0xFFFFFFFC, v1  }
0x86: {  	v2 =	vand.u32 $0xFFFFFFFE, v2;
	[sflag:s8] =	ssyncset.done $0x0;
	v1 =	vbroadcast v1, $0x0;
	s11 =	sshrl.u32 s11, $0x2  }
0x87: {  	v2 =	vbroadcast v2, $0x0;
	[sflag:s8] =	ssyncadd.s32 $0xFFFFD800;
	s8 =	sadd.s32 $0x2BD0, s11  }
0x88: {  	s9 =	smul.u32 $0x140, s30;
	v4 =	vld [tilespmem:s8+$0x70]  }
0x89: {  	v5 =	vld [tilespmem:s8+$0xFFFFFF00]  }
0x8a: {  	s12 =	simm.s32 $0x1;
	s3 =	sshrl.u32 s9, $0x2;
	v6 =	vld [tilespmem:s8+$0xFFFFFF10]  }
0x8b: {  	v3 =	vmov s12;
	s9 =	sadd.s32 $0x320, s3;
	v7 =	vld [tilespmem:s8+$0xFFFFFF20]  }
0x8c: {  	v3 =	vand.u32 $0xFFFFFFFD, v3;
	v1 =	vld.idx.msk [tilespmem:v1+s9+$0x0], $0xffff  }
0x8d: {  	v3 =	vbroadcast v3, $0x0;
	v2 =	vld.idx.msk [tilespmem:v2+s9+$0x0], $0xffff  }
0x8e: {  	v8 =	vld [tilespmem:s8+$0xFFFFFF30]  }
0x8f: {  	v9 =	vld [tilespmem:s8+$0xFFFFFF40]  }
0x90: {  	v10 =	vld [tilespmem:s8+$0xFFFFFF50]  }
0x91: {  	v11 =	vld [tilespmem:s8+$0xFFFFFF60];
	v5 =	vmul.f32 v5, v1  }
0x92: {  	v13 =	vld [tilespmem:s8+$0x40];
	v4 =	vmul.f32 v4, v2  }
0x93: {  	v3 =	vld.idx.msk [tilespmem:v3+s9+$0x0], $0xffff;
	[tilespmem:s8+$0xFFFFFF00] =	vst v5;
	v5 =	vmul.f32 v6, v1  }
0x94: {  	v6 =	vld [tilespmem:s8+$0xFFFFFF70];
	[tilespmem:s8+$0x70] =	vst v4;
	v4 =	vmul.f32 v7, v1  }
0x95: {  	v7 =	vld [tilespmem:s8+$0xFFFFFF80];
	[tilespmem:s8+$0xFFFFFF10] =	vst v5;
	v5 =	vmul.f32 v8, v1  }
0x96: {  	v8 =	vld [tilespmem:s8+$0xFFFFFF90];
	[tilespmem:s8+$0xFFFFFF20] =	vst v4;
	v4 =	vmul.f32 v9, v1  }
0x97: {  	v9 =	vld [tilespmem:s8+$0xFFFFFFA0];
	[tilespmem:s8+$0xFFFFFF30] =	vst v5;
	v5 =	vmul.f32 v10, v1  }
0x98: {  	v10 =	vld [tilespmem:s8+$0xFFFFFFB0];
	[tilespmem:s8+$0xFFFFFF40] =	vst v4;
	v4 =	vmul.f32 v11, v1  }
0x99: {  	v11 =	vld [tilespmem:s8+$0xFFFFFFC0];
	v6 =	vmul.f32 v6, v1;
	[tilespmem:s8+$0xFFFFFF50] =	vst v5  }
0x9a: {  	v5 =	vmul.f32 v7, v3;
	v7 =	vld [tilespmem:s8+$0xFFFFFFD0];
	[tilespmem:s8+$0xFFFFFF60] =	vst v4  }
0x9b: {  	s13 =	simm.s32 $0x3;
	v4 =	vld [tilespmem:s8+$0xFFFFFFE0];
	v8 =	vmul.f32 v8, v3;
	[tilespmem:s8+$0xFFFFFF70] =	vst v6  }
0x9c: {  	v12 =	vmov s13;
	v6 =	vld [tilespmem:s8+$0xFFFFFFF0];
	[tilespmem:s8+$0xFFFFFF80] =	vst v5;
	v5 =	vmul.f32 v9, v3  }
0x9d: {  	v9 =	vld [tilespmem:s8+$0x0];
	[tilespmem:s8+$0xFFFFFF90] =	vst v8;
	v8 =	vmul.f32 v10, v3  }
0x9e: {  	v10 =	vld [tilespmem:s8+$0x10];
	[tilespmem:s8+$0xFFFFFFA0] =	vst v5;
	v5 =	vmul.f32 v11, v3  }
0x9f: {  	[tilespmem:s8+$0xFFFFFFB0] =	vst v8;
	v7 =	vmul.f32 v7, v3;
	v8 =	vld [tilespmem:s8+$0x20]  }
0xa0: {  	v11 =	vld [tilespmem:s8+$0x30];
	v4 =	vmul.f32 v4, v3;
	[tilespmem:s8+$0xFFFFFFC0] =	vst v5  }
0xa1: {  	v1 =	vld.idx.msk [tilespmem:v12+s9+$0x0], $0xffff;
	v5 =	vmul.f32 v6, v3;
	[tilespmem:s8+$0xFFFFFFD0] =	vst v7  }
0xa2: {  	v3 =	vld [tilespmem:s8+$0x50];
	[tilespmem:s8+$0xFFFFFFE0] =	vst v4;
	v6 =	vmul.f32 v9, v2  }
0xa3: {  	s15 =	smul.u32 $0xA000, s30;
	s12 =	simm.s32 $0x4;
	v4 =	vld [tilespmem:s8+$0x60];
	[tilespmem:s8+$0xFFFFFFF0] =	vst v5;
	v7 =	vmul.f32 v10, v2  }
0xa4: {  	s13 =	simm.s32 $0x5;
	v5 =	vmov s12;
	[tilespmem:s8+$0x0] =	vst v6;
	v9 =	vmul.f32 v8, v2;
	v8 =	vld [tilespmem:s8+$0x80]  }
0xa5: {  	s20 =	simm.s32 $0x7;
	s11 =	sshrl.u32 s15, $0x2;
	v12 =	vmov s13;
	s13 =	simm.s32 $0x6;
	v6 =	vand.u32 $0xFFFFFFFC, v5;
	v10 =	vmul.f32 v11, v2;
	[tilespmem:s8+$0x10] =	vst v7;
	v7 =	vld [tilespmem:s8+$0x90]  }
0xa6: {  	s12 =	simm.s32 $0x8;
	v5 =	vmov s20;
	s20 =	sadd.s32 $0x2AD0, s11;
	v11 =	vmul.f32 v13, v2;
	s11 =	smov.u32 s8;
	v6 =	vbroadcast v6, $0x0;
	[tilespmem:s8+$0x20] =	vst v9;
	v9 =	vld [tilespmem:s8+$0xA0]  }
.LBB2_9:
0xa7: {  	p1 =	slt.u32 s12, $0x4C;
	v12 =	vand.u32 $0xFFFFFFFD, v12;
	v13 =	vmov s13;
	[tilespmem:s8+$0x30] =	vst v10;
	v3 =	vmul.f32 v3, v2;
	v10 =	vld [tilespmem:s8+$0xB0]  }
0xa8: {  	v12 =	vbroadcast v12, $0x0;
	v13 =	vand.u32 $0xFFFFFFFE, v13;
	[tilespmem:s8+$0x40] =	vst v11;
	v2 =	vmul.f32 v4, v2;
	v4 =	vld [tilespmem:s8+$0xC0]  }
0xa9: {  	v11 =	vbroadcast v13, $0x0;
	[tilespmem:s8+$0x50] =	vst v3;
	v3 =	vmul.f32 v8, v1;
	v8 =	vld [tilespmem:s8+$0xD0]  }
0xaa: {  	[tilespmem:s8+$0x60] =	vst v2;
	v2 =	vmul.f32 v7, v1;
	v7 =	vld [tilespmem:s8+$0xE0]  }
0xab: {  	[tilespmem:s8+$0x80] =	vst v3;
	v3 =	vmul.f32 v9, v1;
	v9 =	vld [tilespmem:s8+$0xF0]  }
0xac: {  	v5 =	vld.idx.msk [tilespmem:v5+s9+$0x0], $0xffff;
	[tilespmem:s8+$0x90] =	vst v2;
	v2 =	vmul.f32 v10, v1  }
0xad: {  	v6 =	vld.idx.msk [tilespmem:v6+s9+$0x0], $0xffff;
	[tilespmem:s8+$0xA0] =	vst v3;
	v3 =	vmul.f32 v4, v1  }
0xae: {  	v4 =	vld.idx.msk [tilespmem:v12+s9+$0x0], $0xffff;
	[tilespmem:s8+$0xB0] =	vst v2;
	v8 =	vmul.f32 v8, v1  }
0xaf: {  	s8 =	sadd.s32 $0x200, s8;
	v2 =	vld.idx.msk [tilespmem:v11+s9+$0x0], $0xffff;
	[tilespmem:s11+$0xC0] =	vst v3;
	v3 =	vmul.f32 v7, v1  }
0xb0: {  	v7 =	vld [tilespmem:s8+$0x70];
	[tilespmem:s11+$0xD0] =	vst v8;
	v9 =	vmul.f32 v9, v1  }
0xb1: {  	v8 =	vld [tilespmem:s8+$0xFFFFFF00];
	[tilespmem:s11+$0xE0] =	vst v3  }
0xb2: {  	v1 =	vmov v5;
	v3 =	vld [tilespmem:s8+$0xFFFFFF10];
	[tilespmem:s11+$0xF0] =	vst v9;
	s11 =	smov.u32 s8  }
0xb3: {  	v5 =	vld [tilespmem:s8+$0xFFFFFF20]  }
0xb4: {  	v9 =	vld [tilespmem:s8+$0xFFFFFF30]  }
0xb5: {  	v10 =	vld [tilespmem:s8+$0xFFFFFF40];
	v7 =	vmul.f32 v7, v2  }
0xb6: {  	v8 =	vmul.f32 v8, v6;
	v11 =	vld [tilespmem:s8+$0xFFFFFF50]  }
0xb7: {  	v3 =	vmul.f32 v3, v6;
	v12 =	vld [tilespmem:s8+$0xFFFFFF60];
	[tilespmem:s8+$0x70] =	vst v7  }
0xb8: {  	[tilespmem:s8+$0xFFFFFF00] =	vst v8;
	v5 =	vmul.f32 v5, v6;
	v7 =	vld [tilespmem:s8+$0xFFFFFF70]  }
0xb9: {  	[tilespmem:s8+$0xFFFFFF10] =	vst v3;
	v3 =	vmul.f32 v9, v6;
	v8 =	vld [tilespmem:s8+$0xFFFFFF80]  }
0xba: {  	[tilespmem:s8+$0xFFFFFF20] =	vst v5;
	v5 =	vmul.f32 v10, v6;
	v9 =	vld [tilespmem:s8+$0xFFFFFF90]  }
0xbb: {  	[tilespmem:s8+$0xFFFFFF30] =	vst v3;
	v3 =	vmul.f32 v11, v6;
	v10 =	vld [tilespmem:s8+$0xFFFFFFA0]  }
0xbc: {  	[tilespmem:s8+$0xFFFFFF40] =	vst v5;
	v5 =	vmul.f32 v12, v6;
	v11 =	vld [tilespmem:s8+$0xFFFFFFB0]  }
0xbd: {  	[tilespmem:s8+$0xFFFFFF50] =	vst v3;
	v3 =	vmul.f32 v7, v6;
	v6 =	vld [tilespmem:s8+$0xFFFFFFC0]  }
0xbe: {  	[tilespmem:s8+$0xFFFFFF60] =	vst v5;
	v5 =	vmul.f32 v8, v4;
	v7 =	vld [tilespmem:s8+$0xFFFFFFD0]  }
0xbf: {  	[tilespmem:s8+$0xFFFFFF70] =	vst v3;
	v3 =	vmul.f32 v9, v4;
	v8 =	vld [tilespmem:s8+$0xFFFFFFE0]  }
0xc0: {  	[tilespmem:s8+$0xFFFFFF80] =	vst v5;
	v5 =	vmul.f32 v10, v4;
	v9 =	vld [tilespmem:s8+$0xFFFFFFF0]  }
0xc1: {  	[tilespmem:s8+$0xFFFFFF90] =	vst v3;
	v3 =	vmul.f32 v11, v4;
	v10 =	vld [tilespmem:s8+$0x0]  }
0xc2: {  	[tilespmem:s8+$0xFFFFFFA0] =	vst v5;
	v5 =	vmul.f32 v6, v4;
	v6 =	vld [tilespmem:s8+$0x10]  }
0xc3: {  	[tilespmem:s8+$0xFFFFFFB0] =	vst v3;
	v3 =	vmul.f32 v7, v4;
	v7 =	vld [tilespmem:s8+$0x20]  }
0xc4: {  	[tilespmem:s8+$0xFFFFFFC0] =	vst v5;
	v5 =	vmul.f32 v8, v4;
	v11 =	vld [tilespmem:s8+$0x30]  }
0xc5: {  	[tilespmem:s8+$0xFFFFFFD0] =	vst v3;
	v4 =	vmul.f32 v9, v4;
	v9 =	vld [tilespmem:s8+$0x40]  }
.Ltmp6:
0xc6: {  	[tilespmem:s8+$0xFFFFFFE0] =	vst v5;
	v5 =	vmul.f32 v10, v2;
	v3 =	vld [tilespmem:s8+$0x50];
	(pc) =	sbr.rel @p1 .LBB2_9-.Ltmp6, $4  }
0xc7: {  	[tilespmem:s8+$0xFFFFFFF0] =	vst v4;
	v6 =	vmul.f32 v6, v2;
	v4 =	vld [tilespmem:s8+$0x60]  }
0xc8: {  	s13 =	sadd.s32 $0x3, s12;
	v10 =	vmov s12;
	[tilespmem:s8+$0x0] =	vst v5;
	v13 =	vmul.f32 v7, v2;
	v8 =	vld [tilespmem:s8+$0x80]  }
0xc9: {  	s15 =	sadd.s32 $0x1, s12;
	v12 =	vand.u32 $0xFFFFFFFC, v10;
	v5 =	vmov s13;
	[tilespmem:s8+$0x10] =	vst v6;
	v10 =	vmul.f32 v11, v2;
	v7 =	vld [tilespmem:s8+$0x90]  }
0xca: {  	s13 =	sadd.s32 $0x2, s12;
	s12 =	sadd.s32 $0x4, s12;
	v6 =	vbroadcast v12, $0x0;
	v12 =	vmov s15;
	[tilespmem:s8+$0x20] =	vst v13;
	v11 =	vmul.f32 v9, v2;
	v9 =	vld [tilespmem:s8+$0xA0]  }
0xcb: {  	v13 =	vld [tilespmem:s8+$0xB0]  }
0xcc: {  	v15 =	vld [tilespmem:s8+$0xC0]  }
0xcd: {  	v16 =	vld [tilespmem:s8+$0xD0]  }
0xce: {  	v17 =	vld [tilespmem:s8+$0xE0];
	v3 =	vmul.f32 v3, v2  }
0xcf: {  	v14 =	vmov s13;
	v33 =	vld [tilespmem:s8+$0xF0];
	[tilespmem:s8+$0x30] =	vst v10;
	v2 =	vmul.f32 v4, v2  }
0xd0: {  	v5 =	vld.idx.msk [tilespmem:v5+s9+$0x0], $0xffff;
	v14 =	vand.u32 $0xFFFFFFFE, v14;
	v8 =	vmul.f32 v8, v1;
	[tilespmem:s8+$0x50] =	vst v3  }
0xd1: {  	s15 =	sadd.s32 $0x200, s8;
	v34 =	vld.idx.msk [tilespmem:v6+s9+$0x0], $0xffff;
	v14 =	vbroadcast v14, $0x0;
	v3 =	vmul.f32 v7, v1;
	[tilespmem:s8+$0x60] =	vst v2  }
0xd2: {  	v37 =	vld [tilespmem:s15+$0x70];
	[tilespmem:s8+$0x80] =	vst v8;
	v2 =	vmul.f32 v9, v1  }
0xd3: {  	v38 =	vld [tilespmem:s15+$0xFFFFFF00];
	[tilespmem:s8+$0x90] =	vst v3;
	v3 =	vmul.f32 v13, v1  }
0xd4: {  	v39 =	vld [tilespmem:s15+$0xFFFFFF10];
	[tilespmem:s8+$0xA0] =	vst v2;
	v2 =	vmul.f32 v15, v1  }
0xd5: {  	v40 =	vld [tilespmem:s15+$0xFFFFFF20];
	[tilespmem:s8+$0xB0] =	vst v3;
	v3 =	vmul.f32 v16, v1  }
0xd6: {  	v12 =	vand.u32 $0xFFFFFFFD, v12;
	v42 =	vld [tilespmem:s15+$0xFFFFFF50];
	[tilespmem:s11+$0xC0] =	vst v2;
	v2 =	vmul.f32 v17, v1  }
0xd7: {  	v12 =	vbroadcast v12, $0x0;
	v36 =	vld.idx.msk [tilespmem:v14+s9+$0x0], $0xffff;
	v1 =	vmul.f32 v33, v1;
	[tilespmem:s11+$0xD0] =	vst v3  }
0xd8: {  	v3 =	vld [tilespmem:s15+$0xFFFFFF30];
	[tilespmem:s11+$0xE0] =	vst v2  }
0xd9: {  	v2 =	vld [tilespmem:s15+$0xFFFFFF40];
	[tilespmem:s11+$0xF0] =	vst v1;
	v1 =	vmul.f32 v38, v34  }
0xda: {  	[tilespmem:s8+$0x40] =	vst v11;
	v44 =	vld [tilespmem:s15+$0xFFFFFF60];
	v43 =	vmul.f32 v39, v34  }
0xdb: {  	v45 =	vld [tilespmem:s15+$0xFFFFFF70];
	[tilespmem:s15+$0xFFFFFF00] =	vst v1;
	v1 =	vmul.f32 v40, v34  }
0xdc: {  	v46 =	vld [tilespmem:s15+$0xFFFFFF80];
	[tilespmem:s15+$0xFFFFFF10] =	vst v43;
	v41 =	vmul.f32 v37, v36  }
0xdd: {  	v35 =	vld.idx.msk [tilespmem:v12+s9+$0x0], $0xffff;
	v3 =	vmul.f32 v3, v34;
	[tilespmem:s15+$0xFFFFFF20] =	vst v1  }
0xde: {  	[tilespmem:s15+$0x70] =	vst v41;
	v1 =	vmul.f32 v2, v34;
	v2 =	vld [tilespmem:s15+$0xFFFFFF90]  }
0xdf: {  	v47 =	vld [tilespmem:s15+$0xFFFFFFA0];
	[tilespmem:s15+$0xFFFFFF30] =	vst v3;
	v3 =	vmul.f32 v42, v34  }
0xe0: {  	v48 =	vld [tilespmem:s15+$0xFFFFFFB0];
	[tilespmem:s15+$0xFFFFFF40] =	vst v1;
	v1 =	vmul.f32 v44, v34  }
0xe1: {  	v49 =	vld [tilespmem:s15+$0xFFFFFFC0];
	[tilespmem:s15+$0xFFFFFF50] =	vst v3;
	v3 =	vmul.f32 v45, v34  }
0xe2: {  	v50 =	vld [tilespmem:s15+$0xFFFFFFD0];
	[tilespmem:s15+$0xFFFFFF60] =	vst v1;
	v1 =	vmul.f32 v46, v35  }
0xe3: {  	[tilespmem:s15+$0xFFFFFF70] =	vst v3;
	v2 =	vmul.f32 v2, v35;
	v3 =	vld [tilespmem:s15+$0xFFFFFFE0]  }
0xe4: {  	v51 =	vld [tilespmem:s15+$0xFFFFFFF0];
	[tilespmem:s15+$0xFFFFFF80] =	vst v1;
	v1 =	vmul.f32 v47, v35  }
0xe5: {  	v52 =	vld [tilespmem:s15+$0x0];
	[tilespmem:s15+$0xFFFFFF90] =	vst v2;
	v2 =	vmul.f32 v48, v35  }
0xe6: {  	v53 =	vld [tilespmem:s15+$0x10];
	[tilespmem:s15+$0xFFFFFFA0] =	vst v1;
	v1 =	vmul.f32 v49, v35  }
0xe7: {  	v54 =	vld [tilespmem:s15+$0x20];
	[tilespmem:s15+$0xFFFFFFB0] =	vst v2;
	v2 =	vmul.f32 v50, v35  }
0xe8: {  	[tilespmem:s15+$0xFFFFFFC0] =	vst v1;
	v1 =	vmul.f32 v3, v35;
	v3 =	vld [tilespmem:s15+$0x30]  }
0xe9: {  	v55 =	vld [tilespmem:s15+$0x40];
	[tilespmem:s15+$0xFFFFFFD0] =	vst v2;
	v2 =	vmul.f32 v51, v35  }
0xea: {  	v56 =	vld [tilespmem:s15+$0x50];
	[tilespmem:s15+$0xFFFFFFE0] =	vst v1;
	v1 =	vmul.f32 v52, v36  }
0xeb: {  	v57 =	vld [tilespmem:s15+$0x60];
	[tilespmem:s15+$0xFFFFFFF0] =	vst v2;
	v2 =	vmul.f32 v53, v36  }
0xec: {  	v58 =	vld [tilespmem:s15+$0x80];
	[tilespmem:s15+$0x0] =	vst v1;
	v1 =	vmul.f32 v54, v36  }
0xed: {  	[tilespmem:s15+$0x10] =	vst v2;
	v2 =	vmul.f32 v3, v36;
	v3 =	vld [tilespmem:s15+$0x90]  }
0xee: {  	v59 =	vld [tilespmem:s15+$0xA0];
	[tilespmem:s15+$0x20] =	vst v1;
	v1 =	vmul.f32 v55, v36  }
0xef: {  	v60 =	vld [tilespmem:s15+$0xB0];
	[tilespmem:s15+$0x30] =	vst v2;
	v2 =	vmul.f32 v56, v36  }
0xf0: {  	v61 =	vld [tilespmem:s15+$0xC0];
	[tilespmem:s15+$0x40] =	vst v1;
	v1 =	vmul.f32 v57, v36  }
0xf1: {  	v62 =	vld [tilespmem:s15+$0xD0];
	[tilespmem:s15+$0x50] =	vst v2;
	v2 =	vmul.f32 v58, v5  }
0xf2: {  	[tilespmem:s15+$0x60] =	vst v1;
	v1 =	vmul.f32 v3, v5;
	v3 =	vld [tilespmem:s15+$0xE0]  }
0xf3: {  	v63 =	vld [tilespmem:s15+$0xF0];
	[tilespmem:s15+$0x80] =	vst v2;
	v2 =	vmul.f32 v59, v5  }
0xf4: {  	[tilespmem:s15+$0x90] =	vst v1;
	v1 =	vmul.f32 v60, v5  }
0xf5: {  	[tilespmem:s15+$0xA0] =	vst v2;
	v2 =	vmul.f32 v61, v5  }
0xf6: {  	[tilespmem:s15+$0xB0] =	vst v1;
	v1 =	vmul.f32 v62, v5  }
.Ltmp7:
0xf7: {  	[tilespmem:s15+$0xC0] =	vst v2;
	v2 =	vmul.f32 v3, v5;
	(pc) =	sbr.rel .LBB2_11-.Ltmp7, $4  }
0xf8: {  	[tilespmem:s15+$0xD0] =	vst v1;
	v1 =	vmul.f32 v63, v5  }
0xf9: {  	[tilespmem:s15+$0xE0] =	vst v2  }
0xfa: {  	s3 =	sor.u32 $0x280, s3;
	s30 =	sadd.s32 $0x9, s30;
	[tilespmem:s15+$0xF0] =	vst v1  }
0xfb: {  	[spmem:s4] =	stream.indirect.scatter.add.f32 [tilespmem:s20], [sflag:s30], $0x80, s3, s25, $0xb8;
	[tilespmem:$0x1B350] =	vst v63  }
.LBB2_6:
.Ltmp8:
0xfc: {  	(pc) =	sbr.rel .LBB2_7-.Ltmp8, $2  }
0xfd: {  	_ =	sdelay $0x2  }
0xfe: {  	p1 =	por $0x1, $0x1  }
.LBB2_12:
0xff: {  	s3 =	simm.s32 $0x0  }
0x100: {  	s15 =	simm.s32 $0x2;
	v1 =	vmov s3  }
0x101: {  	_ =	swait.ge [sflag:s26], $0x2800;
	v2 =	vmov s15;
	v1 =	vand.u32 $0xFFFFFFFC, v1  }
0x102: {  	[sflag:s26] =	ssyncset.done $0x0;
	v2 =	vand.u32 $0xFFFFFFFE, v2;
	v1 =	vbroadcast v1, $0x0  }
0x103: {  	s3 =	simm.s32 $0x2BD0;
	[sflag:s26] =	ssyncadd.s32 $0xFFFFD800;
	v2 =	vbroadcast v2, $0x0  }
0x104: {  	v4 =	vld [tilespmem:s3+$0x70]  }
0x105: {  	v5 =	vld [tilespmem:s3+$0xFFFFFF00]  }
0x106: {  	s8 =	simm.s32 $0x1;
	v6 =	vld [tilespmem:s3+$0xFFFFFF10]  }
0x107: {  	v3 =	vmov s8;
	v7 =	vld [tilespmem:s3+$0xFFFFFF20]  }
0x108: {  	v3 =	vand.u32 $0xFFFFFFFD, v3;
	v1 =	vld.idx.msk [tilespmem:v1+s28+$0x0], $0xffff  }
0x109: {  	v3 =	vbroadcast v3, $0x0;
	v2 =	vld.idx.msk [tilespmem:v2+s28+$0x0], $0xffff  }
0x10a: {  	v8 =	vld [tilespmem:s3+$0xFFFFFF30]  }
0x10b: {  	v9 =	vld [tilespmem:s3+$0xFFFFFF40]  }
0x10c: {  	v10 =	vld [tilespmem:s3+$0xFFFFFF50]  }
0x10d: {  	v11 =	vld [tilespmem:s3+$0xFFFFFF60];
	v5 =	vmul.f32 v5, v1  }
0x10e: {  	v13 =	vld [tilespmem:s3+$0x40];
	v4 =	vmul.f32 v4, v2  }
0x10f: {  	v3 =	vld.idx.msk [tilespmem:v3+s28+$0x0], $0xffff;
	[tilespmem:s3+$0xFFFFFF00] =	vst v5;
	v5 =	vmul.f32 v6, v1  }
0x110: {  	v6 =	vld [tilespmem:s3+$0xFFFFFF70];
	[tilespmem:s3+$0x70] =	vst v4;
	v4 =	vmul.f32 v7, v1  }
0x111: {  	v7 =	vld [tilespmem:s3+$0xFFFFFF80];
	[tilespmem:s3+$0xFFFFFF10] =	vst v5;
	v5 =	vmul.f32 v8, v1  }
0x112: {  	v8 =	vld [tilespmem:s3+$0xFFFFFF90];
	[tilespmem:s3+$0xFFFFFF20] =	vst v4;
	v4 =	vmul.f32 v9, v1  }
0x113: {  	v9 =	vld [tilespmem:s3+$0xFFFFFFA0];
	[tilespmem:s3+$0xFFFFFF30] =	vst v5;
	v5 =	vmul.f32 v10, v1  }
0x114: {  	v10 =	vld [tilespmem:s3+$0xFFFFFFB0];
	[tilespmem:s3+$0xFFFFFF40] =	vst v4;
	v4 =	vmul.f32 v11, v1  }
0x115: {  	v11 =	vld [tilespmem:s3+$0xFFFFFFC0];
	v6 =	vmul.f32 v6, v1;
	[tilespmem:s3+$0xFFFFFF50] =	vst v5  }
0x116: {  	v5 =	vmul.f32 v7, v3;
	v7 =	vld [tilespmem:s3+$0xFFFFFFD0];
	[tilespmem:s3+$0xFFFFFF60] =	vst v4  }
0x117: {  	s20 =	simm.s32 $0x3;
	v4 =	vld [tilespmem:s3+$0xFFFFFFE0];
	v8 =	vmul.f32 v8, v3;
	[tilespmem:s3+$0xFFFFFF70] =	vst v6  }
0x118: {  	v12 =	vmov s20;
	v6 =	vld [tilespmem:s3+$0xFFFFFFF0];
	[tilespmem:s3+$0xFFFFFF80] =	vst v5;
	v5 =	vmul.f32 v9, v3  }
0x119: {  	v9 =	vld [tilespmem:s3+$0x0];
	[tilespmem:s3+$0xFFFFFF90] =	vst v8;
	v8 =	vmul.f32 v10, v3  }
0x11a: {  	v10 =	vld [tilespmem:s3+$0x10];
	[tilespmem:s3+$0xFFFFFFA0] =	vst v5;
	v5 =	vmul.f32 v11, v3  }
0x11b: {  	[tilespmem:s3+$0xFFFFFFB0] =	vst v8;
	v7 =	vmul.f32 v7, v3;
	v8 =	vld [tilespmem:s3+$0x20]  }
0x11c: {  	v11 =	vld [tilespmem:s3+$0x30];
	v4 =	vmul.f32 v4, v3;
	[tilespmem:s3+$0xFFFFFFC0] =	vst v5  }
0x11d: {  	v1 =	vld.idx.msk [tilespmem:v12+s28+$0x0], $0xffff;
	v3 =	vmul.f32 v6, v3;
	[tilespmem:s3+$0xFFFFFFD0] =	vst v7  }
0x11e: {  	[tilespmem:s3+$0xFFFFFFE0] =	vst v4;
	v5 =	vmul.f32 v9, v2;
	v4 =	vld [tilespmem:s3+$0x50]  }
0x11f: {  	s29 =	simm.s32 $0x4;
	[tilespmem:s3+$0xFFFFFFF0] =	vst v3;
	v6 =	vmul.f32 v10, v2;
	v3 =	vld [tilespmem:s3+$0x60]  }
0x120: {  	s30 =	simm.s32 $0x7;
	v7 =	vmov s29;
	[tilespmem:s3+$0x0] =	vst v5;
	v9 =	vmul.f32 v8, v2;
	v8 =	vld [tilespmem:s3+$0x80]  }
0x121: {  	s9 =	simm.s32 $0x5;
	v12 =	vand.u32 $0xFFFFFFFC, v7;
	v7 =	vld [tilespmem:s3+$0x90];
	v5 =	vmov s30;
	v10 =	vmul.f32 v11, v2;
	[tilespmem:s3+$0x10] =	vst v6  }
0x122: {  	s11 =	simm.s32 $0x6;
	s8 =	simm.s32 $0x2BD0;
	v11 =	vmul.f32 v13, v2;
	v6 =	vbroadcast v12, $0x0;
	v12 =	vmov s9;
	s9 =	simm.s32 $0x8;
	[tilespmem:s3+$0x20] =	vst v9;
	v9 =	vld [tilespmem:s3+$0xA0]  }
.LBB2_13:
0x123: {  	p0 =	slt.u32 s9, $0x4C;
	v12 =	vand.u32 $0xFFFFFFFD, v12;
	v13 =	vmov s11;
	[tilespmem:s3+$0x30] =	vst v10;
	v4 =	vmul.f32 v4, v2;
	v10 =	vld [tilespmem:s3+$0xB0]  }
0x124: {  	v12 =	vbroadcast v12, $0x0;
	v13 =	vand.u32 $0xFFFFFFFE, v13;
	[tilespmem:s3+$0x40] =	vst v11;
	v2 =	vmul.f32 v3, v2;
	v3 =	vld [tilespmem:s3+$0xC0]  }
0x125: {  	v11 =	vbroadcast v13, $0x0;
	[tilespmem:s3+$0x50] =	vst v4;
	v4 =	vmul.f32 v8, v1;
	v8 =	vld [tilespmem:s3+$0xD0]  }
0x126: {  	[tilespmem:s3+$0x60] =	vst v2;
	v2 =	vmul.f32 v7, v1;
	v7 =	vld [tilespmem:s3+$0xE0]  }
0x127: {  	[tilespmem:s3+$0x80] =	vst v4;
	v4 =	vmul.f32 v9, v1;
	v9 =	vld [tilespmem:s3+$0xF0]  }
0x128: {  	v5 =	vld.idx.msk [tilespmem:v5+s28+$0x0], $0xffff;
	[tilespmem:s3+$0x90] =	vst v2;
	v2 =	vmul.f32 v10, v1  }
0x129: {  	v6 =	vld.idx.msk [tilespmem:v6+s28+$0x0], $0xffff;
	[tilespmem:s3+$0xA0] =	vst v4;
	v3 =	vmul.f32 v3, v1  }
0x12a: {  	v4 =	vld.idx.msk [tilespmem:v12+s28+$0x0], $0xffff;
	[tilespmem:s3+$0xB0] =	vst v2;
	v8 =	vmul.f32 v8, v1  }
0x12b: {  	s3 =	sadd.s32 $0x200, s3;
	v2 =	vld.idx.msk [tilespmem:v11+s28+$0x0], $0xffff;
	[tilespmem:s8+$0xC0] =	vst v3;
	v3 =	vmul.f32 v7, v1  }
0x12c: {  	v7 =	vld [tilespmem:s3+$0x70];
	[tilespmem:s8+$0xD0] =	vst v8;
	v9 =	vmul.f32 v9, v1  }
0x12d: {  	v8 =	vld [tilespmem:s3+$0xFFFFFF00];
	[tilespmem:s8+$0xE0] =	vst v3  }
0x12e: {  	v1 =	vmov v5;
	v3 =	vld [tilespmem:s3+$0xFFFFFF10];
	[tilespmem:s8+$0xF0] =	vst v9;
	s8 =	smov.u32 s3  }
0x12f: {  	v5 =	vld [tilespmem:s3+$0xFFFFFF20]  }
0x130: {  	v9 =	vld [tilespmem:s3+$0xFFFFFF30]  }
0x131: {  	v10 =	vld [tilespmem:s3+$0xFFFFFF40];
	v7 =	vmul.f32 v7, v2  }
0x132: {  	v8 =	vmul.f32 v8, v6;
	v11 =	vld [tilespmem:s3+$0xFFFFFF50]  }
0x133: {  	v3 =	vmul.f32 v3, v6;
	v12 =	vld [tilespmem:s3+$0xFFFFFF60];
	[tilespmem:s3+$0x70] =	vst v7  }
0x134: {  	[tilespmem:s3+$0xFFFFFF00] =	vst v8;
	v5 =	vmul.f32 v5, v6;
	v7 =	vld [tilespmem:s3+$0xFFFFFF70]  }
0x135: {  	[tilespmem:s3+$0xFFFFFF10] =	vst v3;
	v3 =	vmul.f32 v9, v6;
	v8 =	vld [tilespmem:s3+$0xFFFFFF80]  }
0x136: {  	[tilespmem:s3+$0xFFFFFF20] =	vst v5;
	v5 =	vmul.f32 v10, v6;
	v9 =	vld [tilespmem:s3+$0xFFFFFF90]  }
0x137: {  	[tilespmem:s3+$0xFFFFFF30] =	vst v3;
	v3 =	vmul.f32 v11, v6;
	v10 =	vld [tilespmem:s3+$0xFFFFFFA0]  }
0x138: {  	[tilespmem:s3+$0xFFFFFF40] =	vst v5;
	v5 =	vmul.f32 v12, v6;
	v11 =	vld [tilespmem:s3+$0xFFFFFFB0]  }
0x139: {  	[tilespmem:s3+$0xFFFFFF50] =	vst v3;
	v3 =	vmul.f32 v7, v6;
	v6 =	vld [tilespmem:s3+$0xFFFFFFC0]  }
0x13a: {  	[tilespmem:s3+$0xFFFFFF60] =	vst v5;
	v5 =	vmul.f32 v8, v4;
	v7 =	vld [tilespmem:s3+$0xFFFFFFD0]  }
0x13b: {  	[tilespmem:s3+$0xFFFFFF70] =	vst v3;
	v3 =	vmul.f32 v9, v4;
	v8 =	vld [tilespmem:s3+$0xFFFFFFE0]  }
0x13c: {  	[tilespmem:s3+$0xFFFFFF80] =	vst v5;
	v5 =	vmul.f32 v10, v4;
	v9 =	vld [tilespmem:s3+$0xFFFFFFF0]  }
0x13d: {  	[tilespmem:s3+$0xFFFFFF90] =	vst v3;
	v3 =	vmul.f32 v11, v4;
	v10 =	vld [tilespmem:s3+$0x0]  }
0x13e: {  	[tilespmem:s3+$0xFFFFFFA0] =	vst v5;
	v5 =	vmul.f32 v6, v4;
	v6 =	vld [tilespmem:s3+$0x10]  }
0x13f: {  	[tilespmem:s3+$0xFFFFFFB0] =	vst v3;
	v3 =	vmul.f32 v7, v4;
	v7 =	vld [tilespmem:s3+$0x20]  }
0x140: {  	[tilespmem:s3+$0xFFFFFFC0] =	vst v5;
	v5 =	vmul.f32 v8, v4;
	v11 =	vld [tilespmem:s3+$0x30]  }
0x141: {  	[tilespmem:s3+$0xFFFFFFD0] =	vst v3;
	v3 =	vmul.f32 v9, v4;
	v9 =	vld [tilespmem:s3+$0x40]  }
.Ltmp9:
0x142: {  	[tilespmem:s3+$0xFFFFFFE0] =	vst v5;
	v5 =	vmul.f32 v10, v2;
	v4 =	vld [tilespmem:s3+$0x50];
	(pc) =	sbr.rel @p0 .LBB2_13-.Ltmp9, $4  }
0x143: {  	[tilespmem:s3+$0xFFFFFFF0] =	vst v3;
	v6 =	vmul.f32 v6, v2;
	v3 =	vld [tilespmem:s3+$0x60]  }
0x144: {  	s11 =	sadd.s32 $0x3, s9;
	v10 =	vmov s9;
	[tilespmem:s3+$0x0] =	vst v5;
	v13 =	vmul.f32 v7, v2;
	v8 =	vld [tilespmem:s3+$0x80]  }
0x145: {  	s12 =	sadd.s32 $0x1, s9;
	v12 =	vand.u32 $0xFFFFFFFC, v10;
	v5 =	vmov s11;
	[tilespmem:s3+$0x10] =	vst v6;
	v10 =	vmul.f32 v11, v2;
	v7 =	vld [tilespmem:s3+$0x90]  }
0x146: {  	s11 =	sadd.s32 $0x2, s9;
	s9 =	sadd.s32 $0x4, s9;
	v6 =	vbroadcast v12, $0x0;
	v12 =	vmov s12;
	[tilespmem:s3+$0x20] =	vst v13;
	v11 =	vmul.f32 v9, v2;
	v9 =	vld [tilespmem:s3+$0xA0]  }
0x147: {  	v13 =	vld [tilespmem:s3+$0xB0]  }
0x148: {  	v15 =	vld [tilespmem:s3+$0xC0]  }
0x149: {  	v16 =	vld [tilespmem:s3+$0xD0]  }
0x14a: {  	v17 =	vld [tilespmem:s3+$0xE0]  }
0x14b: {  	v29 =	vld [tilespmem:s3+$0xF0];
	[tilespmem:s3+$0x30] =	vst v10;
	v4 =	vmul.f32 v4, v2  }
0x14c: {  	v5 =	vld.idx.msk [tilespmem:v5+s28+$0x0], $0xffff;
	[tilespmem:s3+$0x40] =	vst v11;
	v2 =	vmul.f32 v3, v2  }
0x14d: {  	s9 =	sadd.s32 $0x200, s3;
	v3 =	vld.idx.msk [tilespmem:v6+s28+$0x0], $0xffff;
	v8 =	vmul.f32 v8, v1;
	[tilespmem:s3+$0x50] =	vst v4  }
0x14e: {  	v14 =	vmov s11;
	v34 =	vld [tilespmem:s9+$0x70];
	v30 =	vmul.f32 v7, v1;
	[tilespmem:s3+$0x60] =	vst v2  }
0x14f: {  	v14 =	vand.u32 $0xFFFFFFFE, v14;
	v35 =	vld [tilespmem:s9+$0xFFFFFF00];
	[tilespmem:s3+$0x80] =	vst v8;
	v2 =	vmul.f32 v9, v1  }
0x150: {  	v37 =	vld [tilespmem:s9+$0xFFFFFF10];
	v14 =	vbroadcast v14, $0x0;
	[tilespmem:s3+$0x90] =	vst v30;
	v33 =	vmul.f32 v13, v1  }
0x151: {  	v38 =	vld [tilespmem:s9+$0xFFFFFF20];
	[tilespmem:s3+$0xA0] =	vst v2;
	v2 =	vmul.f32 v15, v1  }
0x152: {  	v12 =	vand.u32 $0xFFFFFFFD, v12;
	v39 =	vld [tilespmem:s9+$0xFFFFFF30];
	v36 =	vmul.f32 v16, v1;
	[tilespmem:s3+$0xB0] =	vst v33  }
0x153: {  	v12 =	vbroadcast v12, $0x0;
	v41 =	vld [tilespmem:s9+$0xFFFFFF50];
	[tilespmem:s8+$0xC0] =	vst v2;
	v2 =	vmul.f32 v17, v1  }
0x154: {  	v43 =	vld [tilespmem:s9+$0xFFFFFF60];
	[tilespmem:s8+$0xD0] =	vst v36;
	v1 =	vmul.f32 v29, v1  }
0x155: {  	v42 =	vmul.f32 v37, v3;
	[tilespmem:s8+$0xE0] =	vst v2;
	v2 =	vld [tilespmem:s9+$0xFFFFFF40]  }
0x156: {  	v32 =	vld.idx.msk [tilespmem:v14+s28+$0x0], $0xffff;
	[tilespmem:s8+$0xF0] =	vst v1;
	v1 =	vmul.f32 v35, v3  }
0x157: {  	v44 =	vld [tilespmem:s9+$0xFFFFFF70];
	v4 =	vmul.f32 v39, v3;
	[tilespmem:s9+$0xFFFFFF10] =	vst v42  }
0x158: {  	v45 =	vld [tilespmem:s9+$0xFFFFFF80];
	[tilespmem:s9+$0xFFFFFF00] =	vst v1;
	v1 =	vmul.f32 v38, v3  }
0x159: {  	v46 =	vmul.f32 v41, v3;
	v31 =	vld.idx.msk [tilespmem:v12+s28+$0x0], $0xffff;
	[tilespmem:s9+$0xFFFFFF30] =	vst v4  }
0x15a: {  	[tilespmem:s9+$0xFFFFFF20] =	vst v1;
	v1 =	vmul.f32 v2, v3;
	v2 =	vld [tilespmem:s9+$0xFFFFFF90]  }
0x15b: {  	v47 =	vld [tilespmem:s9+$0xFFFFFFA0];
	[tilespmem:s9+$0xFFFFFF50] =	vst v46;
	v40 =	vmul.f32 v34, v32  }
0x15c: {  	v48 =	vld [tilespmem:s9+$0xFFFFFFB0];
	[tilespmem:s9+$0xFFFFFF40] =	vst v1;
	v1 =	vmul.f32 v43, v3  }
0x15d: {  	v49 =	vld [tilespmem:s9+$0xFFFFFFC0];
	[tilespmem:s9+$0x70] =	vst v40;
	v3 =	vmul.f32 v44, v3  }
0x15e: {  	v50 =	vld [tilespmem:s9+$0xFFFFFFD0];
	[tilespmem:s9+$0xFFFFFF60] =	vst v1;
	v1 =	vmul.f32 v45, v31  }
0x15f: {  	[tilespmem:s9+$0xFFFFFF70] =	vst v3;
	v3 =	vld [tilespmem:s9+$0xFFFFFFE0];
	v2 =	vmul.f32 v2, v31  }
0x160: {  	v51 =	vld [tilespmem:s9+$0xFFFFFFF0];
	[tilespmem:s9+$0xFFFFFF80] =	vst v1;
	v1 =	vmul.f32 v47, v31  }
0x161: {  	v52 =	vld [tilespmem:s9+$0x0];
	[tilespmem:s9+$0xFFFFFF90] =	vst v2;
	v2 =	vmul.f32 v48, v31  }
0x162: {  	v53 =	vld [tilespmem:s9+$0x10];
	[tilespmem:s9+$0xFFFFFFA0] =	vst v1;
	v1 =	vmul.f32 v49, v31  }
0x163: {  	v54 =	vld [tilespmem:s9+$0x20];
	[tilespmem:s9+$0xFFFFFFB0] =	vst v2;
	v2 =	vmul.f32 v50, v31  }
0x164: {  	[tilespmem:s9+$0xFFFFFFC0] =	vst v1;
	v1 =	vmul.f32 v3, v31;
	v3 =	vld [tilespmem:s9+$0x30]  }
0x165: {  	v55 =	vld [tilespmem:s9+$0x40];
	[tilespmem:s9+$0xFFFFFFD0] =	vst v2;
	v2 =	vmul.f32 v51, v31  }
0x166: {  	v56 =	vld [tilespmem:s9+$0x50];
	[tilespmem:s9+$0xFFFFFFE0] =	vst v1;
	v1 =	vmul.f32 v52, v32  }
0x167: {  	v57 =	vld [tilespmem:s9+$0x60];
	[tilespmem:s9+$0xFFFFFFF0] =	vst v2;
	v2 =	vmul.f32 v53, v32  }
0x168: {  	v58 =	vld [tilespmem:s9+$0x80];
	[tilespmem:s9+$0x0] =	vst v1;
	v1 =	vmul.f32 v54, v32  }
0x169: {  	[tilespmem:s9+$0x10] =	vst v2;
	v2 =	vmul.f32 v3, v32;
	v3 =	vld [tilespmem:s9+$0x90]  }
0x16a: {  	v59 =	vld [tilespmem:s9+$0xA0];
	[tilespmem:s9+$0x20] =	vst v1;
	v1 =	vmul.f32 v55, v32  }
0x16b: {  	v60 =	vld [tilespmem:s9+$0xB0];
	[tilespmem:s9+$0x30] =	vst v2;
	v2 =	vmul.f32 v56, v32  }
0x16c: {  	v61 =	vld [tilespmem:s9+$0xC0];
	[tilespmem:s9+$0x40] =	vst v1;
	v1 =	vmul.f32 v57, v32  }
0x16d: {  	v62 =	vld [tilespmem:s9+$0xD0];
	[tilespmem:s9+$0x50] =	vst v2;
	v2 =	vmul.f32 v58, v5  }
0x16e: {  	[tilespmem:s9+$0x60] =	vst v1;
	v1 =	vmul.f32 v3, v5;
	v3 =	vld [tilespmem:s9+$0xE0]  }
0x16f: {  	v63 =	vld [tilespmem:s9+$0xF0];
	[tilespmem:s9+$0x80] =	vst v2;
	v2 =	vmul.f32 v59, v5  }
0x170: {  	[tilespmem:s9+$0x90] =	vst v1;
	v1 =	vmul.f32 v60, v5  }
0x171: {  	[tilespmem:s9+$0xA0] =	vst v2;
	v2 =	vmul.f32 v61, v5  }
0x172: {  	[tilespmem:s9+$0xB0] =	vst v1;
	v1 =	vmul.f32 v62, v5  }
0x173: {  	[tilespmem:s9+$0xC0] =	vst v2;
	v2 =	vmul.f32 v3, v5  }
0x174: {  	[tilespmem:s9+$0xD0] =	vst v1;
	v1 =	vmul.f32 v63, v5  }
0x175: {  	[tilespmem:s9+$0xE0] =	vst v2  }
0x176: {  	s13 =	simm.s32 $0x280;
	s15 =	simm.s32 $0x2AD0;
	[tilespmem:s9+$0xF0] =	vst v1  }
0x177: {  	[spmem:s4] =	stream.indirect.scatter.add.f32 [tilespmem:s15], [sflag:$0x9], $0x80, s13, s25, $0xb8;
	[tilespmem:$0x1B350] =	vst v63  }
0x178: {  	_ =	swait.ge [sflag:s31], $0x2800  }
0x179: {  	[sflag:s31] =	ssyncset.done $0x0  }
0x17a: {  	[sflag:s31] =	ssyncadd.s32 $0xFFFFD800  }
0x17b: {  	_ =	swait.ge [sflag:s0], $0x2800  }
0x17c: {  	[sflag:s0] =	ssyncset.done $0x0  }
0x17d: {  	s21 =	sadd.s32 $0x1, s21;
	[sflag:s0] =	ssyncadd.s32 $0xFFFFD800  }
0x17e: {  	s29 =	simm.s32 $0x20;
	p0 =	sne.s32 s21, s16;
	[bflag:$0x0] =	sbarrier.arrive $0xFFFF  }
.Ltmp10:
0x17f: {  	s30 =	simm.s32 $0x10;
	s20 =	rddreg [dreg:$0xa];
	(pc) =	sbr.rel @p0 .LBB2_1-.Ltmp10, $4  }
0x180: {  	[hbm:s20@s29], [sflag:s10] =	dma.strided [spmem:s17@s30], $0x2710, s22, $0x10   }
0x181: {  	_ =	swait.ge [sflag:s18], $0x2710  }
0x182: {  	[sflag:s18] =	ssyncset.done $0x0  }
0x183: {  	[sflag:s18] =	ssyncadd.s32 $0xFFFFD8F0  }
0x184: {  	_ =	sfence.sel $0x180000  }
0x185: {  	[bflag:$0x0] =	sbarrier.arrive $0xFFFF  }
0x186: {  	_ =	strace $0x9000004A  }
0x187: {  	s0 =	stileid.u32;
	[bflag:$0x2] =	sbarrier.arrive $0xFFFF  }
0x188: {  	p0 =	sne.s32 s0, $0x0;
	s0 =	rddreg [dreg:$0x4]  }
0x189: {  	s0 =	sadd.s32 @!p0 $0x100000, s0  }
0x18a: {  	[sflag:s0] =	ssyncadd.tile.s32 @!p0 $0x1;
	_ =	shalt  }
.Lfunc_end2:
_tile_overlayer_lowered:
.L_overlay_start_2:
0x18b: {  	(tag) =	ssettag $0x2  }
0x18c: {  	s0 =	rddreg [dreg:$0x0];
	s2 =	stileid.u32  }
0x18d: {  	s1 =	rddreg [dreg:$0x1];
	p0 =	sne.s32 s2, $0x0  }
0x18e: {  	s3 =	rddreg [dreg:$0x2];
	[bflag:$0x3] =	sbarrier.arrive $0xFFFF;
	s2 =	simm.s32 @!p0 $0x1C0B  }
0x18f: {  	[timem:s3], [sflag:s2] =	dma.local @!p0 [hbm:s0], s1  }
0x190: {  	s0 =	simm.s32 @!p0 $0xB  }
0x191: {  	_ =	swait.ge @!p0 [sflag:s0], s1  }
0x192: {  	s1 =	ssub.s32 @!p0 $0x0, s1;
	[sflag:s0] =	ssyncset.done @!p0 $0x0  }
0x193: {  	[sflag:s0] =	ssyncadd.s32 @!p0 s1  }
0x194: {  	[bflag:$0x3] =	sbarrier.arrive $0xFFFF  }
0x195: {  	_ =	shalt  }

</sc_bundles>
